<compile_context>
chip_gen: v7x
topology: tpu7x:2x2x1
jax: 0.10.2.dev20260603
libtpu: 0.0.44.dev20260713+nightly
codegen_flags: <defaults>
</compile_context>

<pallas_src>
import functools

import jax
import jax.numpy as jnp
from jax import lax
from jax.experimental import pallas as pl
from jax.experimental.pallas import tpu as pltpu
from jax.experimental.pallas import tpu_sc as plsc

VOCAB = 100000
MAXLEN = 200
D = 128
BATCH = 1024
SEQ = 200

NC = 2
NS = 16
NW = NC * NS
L = 16

CHUNK = 128
N_TOK = BATCH * SEQ
N_CHUNKS = N_TOK // CHUNK
CPW = N_CHUNKS // NW
NV = D // L

_EPS = 1e-5


def _rsqrt_vec(v):
    i = plsc.bitcast(v, jnp.int32)
    i = jnp.int32(0x5F3759DF) - (i >> 1)
    y = plsc.bitcast(i, jnp.float32)
    half = v * 0.5
    for _ in range(3):
        y = y * (1.5 - half * y * y)
    return y


def _body(x_hbm, tok_hbm, pos_hbm, gamma_hbm, beta_hbm, out_hbm,
          idx_v, pos_v, gb_v, in_v0, in_v1, out_v0, out_v1,
          is0, is1, os0, os1):
    cid = lax.axis_index("c")
    sid = lax.axis_index("s")
    wid = sid * NC + cid

    pltpu.sync_copy(pos_hbm, pos_v)
    pltpu.sync_copy(gamma_hbm, gb_v.at[0])
    pltpu.sync_copy(beta_hbm, gb_v.at[1])
    pltpu.sync_copy(x_hbm.at[wid], idx_v)

    in_bufs = (in_v0, in_v1)
    out_bufs = (out_v0, out_v1)
    in_sems = (is0, is1)
    out_sems = (os0, os1)

    gammas = [gb_v[0, pl.ds(c * L, L)] for c in range(NV)]
    betas = [gb_v[1, pl.ds(c * L, L)] for c in range(NV)]


    def allsum(v):
        cs = plsc.cumsum(v)
        csr = plsc.cumsum(lax.rev(v, (0,)))
        return cs + lax.rev(csr, (0,)) - v

    def out_slice(j):
        return out_hbm.at[pl.ds((wid * CPW + j) * CHUNK, CHUNK)]

    def gather_start(j, b):
        pltpu.async_copy(tok_hbm.at[idx_v.at[j]], in_bufs[b], in_sems[b])

    def gather_wait(j, b):
        pltpu.make_async_copy(tok_hbm.at[idx_v.at[j]], in_bufs[b],
                              in_sems[b]).wait()

    def scatter_start(j, b):
        pltpu.async_copy(out_bufs[b], out_slice(j), out_sems[b])

    def scatter_wait(j, b):
        pltpu.make_async_copy(out_bufs[b], out_slice(j), out_sems[b]).wait()

    def compute(in_ref, out_ref, pbase):
        @plsc.parallel_loop(0, CHUNK, unroll=8)
        def _(t):
            pidx = (pbase + t) % SEQ
            h = [in_ref[t, pl.ds(c * L, L)] + pos_v[pidx, pl.ds(c * L, L)]
                 for c in range(NV)]
            s = h[0]
            q = h[0] * h[0]
            for c in range(1, NV):
                s = s + h[c]
                q = q + h[c] * h[c]
            mean = allsum(s) * (1.0 / D)
            var = allsum(q) * (1.0 / D) - mean * mean
            rstd = _rsqrt_vec(var + _EPS)
            for c in range(NV):
                out_ref[t, pl.ds(c * L, L)] = (
                    (h[c] - mean) * rstd * gammas[c] + betas[c])

    gather_start(0, 0)
    gather_start(1, 1)

    def chunk_body(jj, carry):
        for b in range(2):
            j = jj * 2 + b
            gather_wait(j, b)

            @pl.when(j >= 2)
            def _():
                scatter_wait(j - 2, b)

            compute(in_bufs[b], out_bufs[b], (j * CHUNK) % SEQ)
            scatter_start(j, b)

            @pl.when(j + 2 < CPW)
            def _():
                gather_start(j + 2, b)
        return carry

    lax.fori_loop(0, CPW // 2, chunk_body, 0)
    scatter_wait(CPW - 2, 0)
    scatter_wait(CPW - 1, 1)


@jax.jit
def _emb_ln(x2, tok_embed, pos_embed, gamma, beta):
    mesh = plsc.VectorSubcoreMesh(core_axis_name="c", subcore_axis_name="s")
    return pl.kernel(
        _body,
        out_type=jax.ShapeDtypeStruct((N_TOK, D), jnp.float32),
        mesh=mesh,
        compiler_params=pltpu.CompilerParams(needs_layout_passes=False),
        scratch_types=[
            pltpu.VMEM((CPW, CHUNK), jnp.int32),
            pltpu.VMEM((MAXLEN, D), jnp.float32),
            pltpu.VMEM((2, D), jnp.float32),
            pltpu.VMEM((CHUNK, D), jnp.float32),
            pltpu.VMEM((CHUNK, D), jnp.float32),
            pltpu.VMEM((CHUNK, D), jnp.float32),
            pltpu.VMEM((CHUNK, D), jnp.float32),
            pltpu.SemaphoreType.DMA,
            pltpu.SemaphoreType.DMA,
            pltpu.SemaphoreType.DMA,
            pltpu.SemaphoreType.DMA,
        ],
    )(x2, tok_embed, pos_embed, gamma, beta)


def kernel(x, tok_embed, pos_embed, gamma, beta):
    x2 = x.astype(jnp.int32).reshape(NW, CPW, CHUNK)
    out = _emb_ln(x2, tok_embed, pos_embed, gamma, beta)
    return out.reshape(BATCH, SEQ, D)

# --- scband reference (transcript-rebuilt; emitter-appended) ---
"""Pipeline reference for scband-embedding-34557306863731 (READ-ONLY COPY).

The authoritative reference and input builder live on the scoring server;
editing this copy changes nothing except your own understanding.
"""

import jax, jax.numpy as jnp
import numpy as np

VOCAB = 100000
MAXLEN = 200
D_MODEL = 128
BATCH = 1024
SEQ = 200

def setup_inputs(seed: int = 0) -> dict:
    key = jax.random.key(seed)
    k1, k2, k3 = jax.random.split(key, 3)
    x = jax.random.randint(k1, (BATCH, SEQ), 0, VOCAB, dtype=jnp.int64) if jax.config.jax_enable_x64 else jax.random.randint(k1, (BATCH, SEQ), 0, VOCAB, dtype=jnp.int32)
    tok_embed = jax.random.normal(k2, (VOCAB, D_MODEL), dtype=jnp.float32) * 0.02
    pos_embed = jax.random.normal(k3, (MAXLEN, D_MODEL), dtype=jnp.float32) * 0.02
    gamma = jnp.ones((D_MODEL,), dtype=jnp.float32)
    beta = jnp.zeros((D_MODEL,), dtype=jnp.float32)
    return {"x": x, "tok_embed": tok_embed, "pos_embed": pos_embed, "gamma": gamma, "beta": beta}

def _layer_norm(h, gamma, beta, eps=1e-5):
    mean = jnp.mean(h, axis=-1, keepdims=True)
    var = jnp.mean((h - mean) ** 2, axis=-1, keepdims=True)
    return (h - mean) / jnp.sqrt(var + eps) * gamma + beta

def reference(x, tok_embed, pos_embed, gamma, beta):
    seq_len = x.shape[1]
    pos = jnp.arange(seq_len, dtype=x.dtype)
    pos = jnp.broadcast_to(pos[None, :], x.shape)
    embedding = jnp.take(tok_embed, x, axis=0) + jnp.take(pos_embed, pos, axis=0)
    # dropout is identity in eval mode
    return _layer_norm(embedding, gamma, beta)

if __name__ == "__main__":
    import jax
    _d = setup_inputs()
    print(jax.jit(kernel)(*tuple(_d.values())))

</pallas_src>

<mosaic_0001>
#map = affine_map<(d0, d1) -> (0, 0, 0)>
#map1 = affine_map<(d0, d1) -> (0, 0)>
#map2 = affine_map<(d0, d1) -> (0)>
module attributes {stable_mosaic.version = 14 : i64} {
  func.func @_body(%arg0: i32, %arg1: i32, %arg2: memref<32x50x128xi32, #tpu.memory_space<hbm>>, %arg3: memref<100000x128xf32, #tpu.memory_space<hbm>>, %arg4: memref<200x128xf32, #tpu.memory_space<hbm>>, %arg5: memref<128xf32, #tpu.memory_space<hbm>>, %arg6: memref<128xf32, #tpu.memory_space<hbm>>, %arg7: memref<204800x128xf32, #tpu.memory_space<hbm>>, %arg8: memref<50x128xi32, #tpu.memory_space<vmem>>, %arg9: memref<200x128xf32, #tpu.memory_space<vmem>>, %arg10: memref<2x128xf32, #tpu.memory_space<vmem>>, %arg11: memref<128x128xf32, #tpu.memory_space<vmem>>, %arg12: memref<128x128xf32, #tpu.memory_space<vmem>>, %arg13: memref<128x128xf32, #tpu.memory_space<vmem>>, %arg14: memref<128x128xf32, #tpu.memory_space<vmem>>, %arg15: memref<!tpu.dma_semaphore, #tpu.memory_space<semaphore_mem>>, %arg16: memref<!tpu.dma_semaphore, #tpu.memory_space<semaphore_mem>>, %arg17: memref<!tpu.dma_semaphore, #tpu.memory_space<semaphore_mem>>, %arg18: memref<!tpu.dma_semaphore, #tpu.memory_space<semaphore_mem>>) attributes {dimension_semantics = [#tpu.dimension_semantics<core_parallel>, #tpu.dimension_semantics<subcore_parallel>], iteration_bounds = array<i64: 2, 16>, scalar_prefetch = 0 : i64, scratch_operands = 11 : i64, tpu.core_type = #tpu.core_type<sc_vector_subcore>, window_params = [{transform_indices = #map}, {transform_indices = #map1}, {transform_indices = #map1}, {transform_indices = #map2}, {transform_indices = #map2}, {transform_indices = #map1}]} {
    %mul3A = arith.constant 2 : i32
    %mul3A_0 = arith.muli %arg1, %mul3A : i32
    %add3A = arith.addi %mul3A_0, %arg0 : i32
    "tpu.region"() ({
      %run_scoped3A_102 = tpu.sem_alloc : memref<!tpu.dma_semaphore, #tpu.memory_space<semaphore_mem>>
      tpu.enqueue_dma source(%arg4 : memref<200x128xf32, #tpu.memory_space<hbm>>) target(%arg9 : memref<200x128xf32, #tpu.memory_space<vmem>>) target_semaphore(%run_scoped3A_102 : memref<!tpu.dma_semaphore, #tpu.memory_space<semaphore_mem>>)
      tpu.wait_dma2 semaphore(%run_scoped3A_102 : memref<!tpu.dma_semaphore, #tpu.memory_space<semaphore_mem>>) src(%arg4 : memref<200x128xf32, #tpu.memory_space<hbm>>) dst(%arg9 : memref<200x128xf32, #tpu.memory_space<vmem>>)
      tpu.yield
    }) : () -> ()
    %run_scoped3A = arith.constant 0 : i32
    "tpu.region"() ({
      %run_scoped3A_102 = tpu.sem_alloc : memref<!tpu.dma_semaphore, #tpu.memory_space<semaphore_mem>>
      %dma_start3A_103 = arith.constant 0 : i32
      %dma_start3A_104 = tpu.memref_slice %arg10[%run_scoped3A, %dma_start3A_103] : memref<2x128xf32, #tpu.memory_space<vmem>> -> memref<1x128xf32, #tpu.memory_space<vmem>>
      %dma_start3A_105 = tpu.memref_squeeze %dma_start3A_104 : memref<1x128xf32, #tpu.memory_space<vmem>> -> memref<128xf32, #tpu.memory_space<vmem>>
      %dma_start3A_106 = arith.constant 0 : i32
      %dma_start3A_107 = tpu.memref_slice %arg10[%run_scoped3A, %dma_start3A_106] : memref<2x128xf32, #tpu.memory_space<vmem>> -> memref<1x128xf32, #tpu.memory_space<vmem>>
      %dma_start3A_108 = tpu.memref_squeeze %dma_start3A_107 : memref<1x128xf32, #tpu.memory_space<vmem>> -> memref<128xf32, #tpu.memory_space<vmem>>
      tpu.enqueue_dma source(%arg5 : memref<128xf32, #tpu.memory_space<hbm>>) target(%dma_start3A_108 : memref<128xf32, #tpu.memory_space<vmem>>) target_semaphore(%run_scoped3A_102 : memref<!tpu.dma_semaphore, #tpu.memory_space<semaphore_mem>>)
      %dma_wait3A_109 = arith.constant 0 : i32
      %dma_wait3A_110 = tpu.memref_slice %arg10[%run_scoped3A, %dma_wait3A_109] : memref<2x128xf32, #tpu.memory_space<vmem>> -> memref<1x128xf32, #tpu.memory_space<vmem>>
      %dma_wait3A_111 = tpu.memref_squeeze %dma_wait3A_110 : memref<1x128xf32, #tpu.memory_space<vmem>> -> memref<128xf32, #tpu.memory_space<vmem>>
      %dma_wait3A_112 = arith.constant 0 : i32
      %dma_wait3A_113 = tpu.memref_slice %arg10[%run_scoped3A, %dma_wait3A_112] : memref<2x128xf32, #tpu.memory_space<vmem>> -> memref<1x128xf32, #tpu.memory_space<vmem>>
      %dma_wait3A_114 = tpu.memref_squeeze %dma_wait3A_113 : memref<1x128xf32, #tpu.memory_space<vmem>> -> memref<128xf32, #tpu.memory_space<vmem>>
      tpu.wait_dma2 semaphore(%run_scoped3A_102 : memref<!tpu.dma_semaphore, #tpu.memory_space<semaphore_mem>>) src(%arg5 : memref<128xf32, #tpu.memory_space<hbm>>) dst(%dma_wait3A_114 : memref<128xf32, #tpu.memory_space<vmem>>)
      tpu.yield
    }) : () -> ()
    %run_scoped3A_1 = arith.constant 1 : i32
    "tpu.region"() ({
      %run_scoped3A_102 = tpu.sem_alloc : memref<!tpu.dma_semaphore, #tpu.memory_space<semaphore_mem>>
      %dma_start3A_103 = arith.constant 0 : i32
      %dma_start3A_104 = tpu.memref_slice %arg10[%run_scoped3A_1, %dma_start3A_103] : memref<2x128xf32, #tpu.memory_space<vmem>> -> memref<1x128xf32, #tpu.memory_space<vmem>>
      %dma_start3A_105 = tpu.memref_squeeze %dma_start3A_104 : memref<1x128xf32, #tpu.memory_space<vmem>> -> memref<128xf32, #tpu.memory_space<vmem>>
      %dma_start3A_106 = arith.constant 0 : i32
      %dma_start3A_107 = tpu.memref_slice %arg10[%run_scoped3A_1, %dma_start3A_106] : memref<2x128xf32, #tpu.memory_space<vmem>> -> memref<1x128xf32, #tpu.memory_space<vmem>>
      %dma_start3A_108 = tpu.memref_squeeze %dma_start3A_107 : memref<1x128xf32, #tpu.memory_space<vmem>> -> memref<128xf32, #tpu.memory_space<vmem>>
      tpu.enqueue_dma source(%arg6 : memref<128xf32, #tpu.memory_space<hbm>>) target(%dma_start3A_108 : memref<128xf32, #tpu.memory_space<vmem>>) target_semaphore(%run_scoped3A_102 : memref<!tpu.dma_semaphore, #tpu.memory_space<semaphore_mem>>)
      %dma_wait3A_109 = arith.constant 0 : i32
      %dma_wait3A_110 = tpu.memref_slice %arg10[%run_scoped3A_1, %dma_wait3A_109] : memref<2x128xf32, #tpu.memory_space<vmem>> -> memref<1x128xf32, #tpu.memory_space<vmem>>
      %dma_wait3A_111 = tpu.memref_squeeze %dma_wait3A_110 : memref<1x128xf32, #tpu.memory_space<vmem>> -> memref<128xf32, #tpu.memory_space<vmem>>
      %dma_wait3A_112 = arith.constant 0 : i32
      %dma_wait3A_113 = tpu.memref_slice %arg10[%run_scoped3A_1, %dma_wait3A_112] : memref<2x128xf32, #tpu.memory_space<vmem>> -> memref<1x128xf32, #tpu.memory_space<vmem>>
      %dma_wait3A_114 = tpu.memref_squeeze %dma_wait3A_113 : memref<1x128xf32, #tpu.memory_space<vmem>> -> memref<128xf32, #tpu.memory_space<vmem>>
      tpu.wait_dma2 semaphore(%run_scoped3A_102 : memref<!tpu.dma_semaphore, #tpu.memory_space<semaphore_mem>>) src(%arg6 : memref<128xf32, #tpu.memory_space<hbm>>) dst(%dma_wait3A_114 : memref<128xf32, #tpu.memory_space<vmem>>)
      tpu.yield
    }) : () -> ()
    "tpu.region"() ({
      %run_scoped3A_102 = tpu.sem_alloc : memref<!tpu.dma_semaphore, #tpu.memory_space<semaphore_mem>>
      %dma_start3A_103 = arith.constant 0 : i32
      %dma_start3A_104 = arith.constant 0 : i32
      %dma_start3A_105 = tpu.memref_slice %arg2[%add3A, %dma_start3A_103, %dma_start3A_104] : memref<32x50x128xi32, #tpu.memory_space<hbm>> -> memref<1x50x128xi32, #tpu.memory_space<hbm>>
      %dma_start3A_106 = tpu.memref_squeeze %dma_start3A_105 : memref<1x50x128xi32, #tpu.memory_space<hbm>> -> memref<50x128xi32, #tpu.memory_space<hbm>>
      %dma_start3A_107 = arith.constant 0 : i32
      %dma_start3A_108 = arith.constant 0 : i32
      %dma_start3A_109 = tpu.memref_slice %arg2[%add3A, %dma_start3A_107, %dma_start3A_108] : memref<32x50x128xi32, #tpu.memory_space<hbm>> -> memref<1x50x128xi32, #tpu.memory_space<hbm>>
      %dma_start3A_110 = tpu.memref_squeeze %dma_start3A_109 : memref<1x50x128xi32, #tpu.memory_space<hbm>> -> memref<50x128xi32, #tpu.memory_space<hbm>>
      tpu.enqueue_dma source(%dma_start3A_110 : memref<50x128xi32, #tpu.memory_space<hbm>>) target(%arg8 : memref<50x128xi32, #tpu.memory_space<vmem>>) target_semaphore(%run_scoped3A_102 : memref<!tpu.dma_semaphore, #tpu.memory_space<semaphore_mem>>)
      %dma_wait3A_111 = arith.constant 0 : i32
      %dma_wait3A_112 = arith.constant 0 : i32
      %dma_wait3A_113 = tpu.memref_slice %arg2[%add3A, %dma_wait3A_111, %dma_wait3A_112] : memref<32x50x128xi32, #tpu.memory_space<hbm>> -> memref<1x50x128xi32, #tpu.memory_space<hbm>>
      %dma_wait3A_114 = tpu.memref_squeeze %dma_wait3A_113 : memref<1x50x128xi32, #tpu.memory_space<hbm>> -> memref<50x128xi32, #tpu.memory_space<hbm>>
      %dma_wait3A_115 = arith.constant 0 : i32
      %dma_wait3A_116 = arith.constant 0 : i32
      %dma_wait3A_117 = tpu.memref_slice %arg2[%add3A, %dma_wait3A_115, %dma_wait3A_116] : memref<32x50x128xi32, #tpu.memory_space<hbm>> -> memref<1x50x128xi32, #tpu.memory_space<hbm>>
      %dma_wait3A_118 = tpu.memref_squeeze %dma_wait3A_117 : memref<1x50x128xi32, #tpu.memory_space<hbm>> -> memref<50x128xi32, #tpu.memory_space<hbm>>
      tpu.wait_dma2 semaphore(%run_scoped3A_102 : memref<!tpu.dma_semaphore, #tpu.memory_space<semaphore_mem>>) src(%dma_wait3A_118 : memref<50x128xi32, #tpu.memory_space<hbm>>) dst(%arg8 : memref<50x128xi32, #tpu.memory_space<vmem>>)
      tpu.yield
    }) : () -> ()
    %get3A = arith.constant 0 : i32
    %get3A_2 = arith.index_cast %get3A : i32 to index
    %get3A_3 = arith.constant 0 : index
    %get3A_4 = tpu.vector_load %arg10[%get3A_2, %get3A_3] {strides = array<i32>} : memref<2x128xf32, #tpu.memory_space<vmem>>, vector<16xf32>,
    %get3A_5 = arith.constant 0 : i32
    %get3A_6 = arith.index_cast %get3A_5 : i32 to index
    %get3A_7 = arith.constant 16 : index
    %get3A_8 = tpu.vector_load %arg10[%get3A_6, %get3A_7] {strides = array<i32>} : memref<2x128xf32, #tpu.memory_space<vmem>>, vector<16xf32>,
    %get3A_9 = arith.constant 0 : i32
    %get3A_10 = arith.index_cast %get3A_9 : i32 to index
    %get3A_11 = arith.constant 32 : index
    %get3A_12 = tpu.vector_load %arg10[%get3A_10, %get3A_11] {strides = array<i32>} : memref<2x128xf32, #tpu.memory_space<vmem>>, vector<16xf32>,
    %get3A_13 = arith.constant 0 : i32
    %get3A_14 = arith.index_cast %get3A_13 : i32 to index
    %get3A_15 = arith.constant 48 : index
    %get3A_16 = tpu.vector_load %arg10[%get3A_14, %get3A_15] {strides = array<i32>} : memref<2x128xf32, #tpu.memory_space<vmem>>, vector<16xf32>,
    %get3A_17 = arith.constant 0 : i32
    %get3A_18 = arith.index_cast %get3A_17 : i32 to index
    %get3A_19 = arith.constant 64 : index
    %get3A_20 = tpu.vector_load %arg10[%get3A_18, %get3A_19] {strides = array<i32>} : memref<2x128xf32, #tpu.memory_space<vmem>>, vector<16xf32>,
    %get3A_21 = arith.constant 0 : i32
    %get3A_22 = arith.index_cast %get3A_21 : i32 to index
    %get3A_23 = arith.constant 80 : index
    %get3A_24 = tpu.vector_load %arg10[%get3A_22, %get3A_23] {strides = array<i32>} : memref<2x128xf32, #tpu.memory_space<vmem>>, vector<16xf32>,
    %get3A_25 = arith.constant 0 : i32
    %get3A_26 = arith.index_cast %get3A_25 : i32 to index
    %get3A_27 = arith.constant 96 : index
    %get3A_28 = tpu.vector_load %arg10[%get3A_26, %get3A_27] {strides = array<i32>} : memref<2x128xf32, #tpu.memory_space<vmem>>, vector<16xf32>,
    %get3A_29 = arith.constant 0 : i32
    %get3A_30 = arith.index_cast %get3A_29 : i32 to index
    %get3A_31 = arith.constant 112 : index
    %get3A_32 = tpu.vector_load %arg10[%get3A_30, %get3A_31] {strides = array<i32>} : memref<2x128xf32, #tpu.memory_space<vmem>>, vector<16xf32>,
    %get3A_33 = arith.constant 1 : i32
    %get3A_34 = arith.index_cast %get3A_33 : i32 to index
    %get3A_35 = arith.constant 0 : index
    %get3A_36 = tpu.vector_load %arg10[%get3A_34, %get3A_35] {strides = array<i32>} : memref<2x128xf32, #tpu.memory_space<vmem>>, vector<16xf32>,
    %get3A_37 = arith.constant 1 : i32
    %get3A_38 = arith.index_cast %get3A_37 : i32 to index
    %get3A_39 = arith.constant 16 : index
    %get3A_40 = tpu.vector_load %arg10[%get3A_38, %get3A_39] {strides = array<i32>} : memref<2x128xf32, #tpu.memory_space<vmem>>, vector<16xf32>,
    %get3A_41 = arith.constant 1 : i32
    %get3A_42 = arith.index_cast %get3A_41 : i32 to index
    %get3A_43 = arith.constant 32 : index
    %get3A_44 = tpu.vector_load %arg10[%get3A_42, %get3A_43] {strides = array<i32>} : memref<2x128xf32, #tpu.memory_space<vmem>>, vector<16xf32>,
    %get3A_45 = arith.constant 1 : i32
    %get3A_46 = arith.index_cast %get3A_45 : i32 to index
    %get3A_47 = arith.constant 48 : index
    %get3A_48 = tpu.vector_load %arg10[%get3A_46, %get3A_47] {strides = array<i32>} : memref<2x128xf32, #tpu.memory_space<vmem>>, vector<16xf32>,
    %get3A_49 = arith.constant 1 : i32
    %get3A_50 = arith.index_cast %get3A_49 : i32 to index
    %get3A_51 = arith.constant 64 : index
    %get3A_52 = tpu.vector_load %arg10[%get3A_50, %get3A_51] {strides = array<i32>} : memref<2x128xf32, #tpu.memory_space<vmem>>, vector<16xf32>,
    %get3A_53 = arith.constant 1 : i32
    %get3A_54 = arith.index_cast %get3A_53 : i32 to index
    %get3A_55 = arith.constant 80 : index
    %get3A_56 = tpu.vector_load %arg10[%get3A_54, %get3A_55] {strides = array<i32>} : memref<2x128xf32, #tpu.memory_space<vmem>>, vector<16xf32>,
    %get3A_57 = arith.constant 1 : i32
    %get3A_58 = arith.index_cast %get3A_57 : i32 to index
    %get3A_59 = arith.constant 96 : index
    %get3A_60 = tpu.vector_load %arg10[%get3A_58, %get3A_59] {strides = array<i32>} : memref<2x128xf32, #tpu.memory_space<vmem>>, vector<16xf32>,
    %get3A_61 = arith.constant 1 : i32
    %get3A_62 = arith.index_cast %get3A_61 : i32 to index
    %get3A_63 = arith.constant 112 : index
    %get3A_64 = tpu.vector_load %arg10[%get3A_62, %get3A_63] {strides = array<i32>} : memref<2x128xf32, #tpu.memory_space<vmem>>, vector<16xf32>,
    %dma_start3A = arith.constant 0 : i32
    %dma_start3A_65 = arith.constant 0 : i32
    %dma_start3A_66 = tpu.memref_slice %arg8[%dma_start3A, %dma_start3A_65] : memref<50x128xi32, #tpu.memory_space<vmem>> -> memref<1x128xi32, #tpu.memory_space<vmem>>
    %dma_start3A_67 = tpu.memref_squeeze %dma_start3A_66 : memref<1x128xi32, #tpu.memory_space<vmem>> -> memref<128xi32, #tpu.memory_space<vmem>>
    %dma_start3A_68 = arith.constant 0 : i32
    %dma_start3A_69 = arith.constant 0 : i32
    %dma_start3A_70 = tpu.memref_slice %arg3[%dma_start3A_68, %dma_start3A_69] : memref<100000x128xf32, #tpu.memory_space<hbm>> -> memref<100000x128xf32, #tpu.memory_space<hbm>>
    tpu.enqueue_indirect_dma source(%dma_start3A_70 : memref<100000x128xf32, #tpu.memory_space<hbm>>) target(%arg11 : memref<128x128xf32, #tpu.memory_space<vmem>>) offsets(%dma_start3A_67 : memref<128xi32, #tpu.memory_space<vmem>>) semaphore(%arg15 : memref<!tpu.dma_semaphore, #tpu.memory_space<semaphore_mem>>)
    %dma_start3A_71 = arith.constant 1 : i32
    %dma_start3A_72 = arith.constant 0 : i32
    %dma_start3A_73 = tpu.memref_slice %arg8[%dma_start3A_71, %dma_start3A_72] : memref<50x128xi32, #tpu.memory_space<vmem>> -> memref<1x128xi32, #tpu.memory_space<vmem>>
    %dma_start3A_74 = tpu.memref_squeeze %dma_start3A_73 : memref<1x128xi32, #tpu.memory_space<vmem>> -> memref<128xi32, #tpu.memory_space<vmem>>
    %dma_start3A_75 = arith.constant 0 : i32
    %dma_start3A_76 = arith.constant 0 : i32
    %dma_start3A_77 = tpu.memref_slice %arg3[%dma_start3A_75, %dma_start3A_76] : memref<100000x128xf32, #tpu.memory_space<hbm>> -> memref<100000x128xf32, #tpu.memory_space<hbm>>
    tpu.enqueue_indirect_dma source(%dma_start3A_77 : memref<100000x128xf32, #tpu.memory_space<hbm>>) target(%arg12 : memref<128x128xf32, #tpu.memory_space<vmem>>) offsets(%dma_start3A_74 : memref<128xi32, #tpu.memory_space<vmem>>) semaphore(%arg16 : memref<!tpu.dma_semaphore, #tpu.memory_space<semaphore_mem>>)
    %scan3A = arith.constant 0 : i32
    %scan3A_78 = arith.constant 0 : i32
    %scan3A_79 = arith.constant 25 : i32
    %scan3A_80 = arith.addi %scan3A_78, %scan3A_79 : i32
    %scan3A_81 = arith.constant 1 : i32
    scf.for %scan3A_102 = %scan3A_78 to %scan3A_80 step %scan3A_81  : i32 {
      %mul3A_103 = arith.constant 2 : i32
      %mul3A_104 = arith.muli %scan3A_102, %mul3A_103 : i32
      %add3A_105 = arith.constant 0 : i32
      %add3A_106 = arith.addi %mul3A_104, %add3A_105 : i32
      %dma_wait3A_107 = arith.constant 0 : i32
      %dma_wait3A_108 = tpu.memref_slice %arg8[%add3A_106, %dma_wait3A_107] : memref<50x128xi32, #tpu.memory_space<vmem>> -> memref<1x128xi32, #tpu.memory_space<vmem>>
      %dma_wait3A_109 = tpu.memref_squeeze %dma_wait3A_108 : memref<1x128xi32, #tpu.memory_space<vmem>> -> memref<128xi32, #tpu.memory_space<vmem>>
      %dma_wait3A_110 = arith.constant 0 : i32
      %dma_wait3A_111 = arith.constant 0 : i32
      %dma_wait3A_112 = tpu.memref_slice %arg3[%dma_wait3A_110, %dma_wait3A_111] : memref<100000x128xf32, #tpu.memory_space<hbm>> -> memref<100000x128xf32, #tpu.memory_space<hbm>>
      tpu.wait_indirect_dma semaphore(%arg15 : memref<!tpu.dma_semaphore, #tpu.memory_space<semaphore_mem>>) src(%dma_wait3A_112 : memref<100000x128xf32, #tpu.memory_space<hbm>>) dst(%arg11 : memref<128x128xf32, #tpu.memory_space<vmem>>)
      %ge3A = arith.constant 2 : i32
      %ge3A_113 = arith.cmpi sge, %add3A_106, %ge3A : i32
      %convert_element_type3A = arith.extui %ge3A_113 : i1 to i32
      %cond3A = arith.constant 0 : i32
      %cond3A_114 = arith.cmpi ne, %convert_element_type3A, %cond3A : i32
      scf.if %cond3A_114 {
        %sub3A = arith.constant 2 : i32
        %sub3A_196 = arith.subi %add3A_106, %sub3A : i32
        %mul3A_197 = arith.constant 50 : i32
        %mul3A_198 = arith.muli %add3A, %mul3A_197 : i32
        %add3A_199 = arith.addi %mul3A_198, %sub3A_196 : i32
        %mul3A_200 = arith.constant 128 : i32
        %mul3A_201 = arith.muli %add3A_199, %mul3A_200 : i32
        %dma_wait3A_202 = arith.constant 0 : i32
        %dma_wait3A_203 = tpu.memref_slice %arg7[%mul3A_201, %dma_wait3A_202] : memref<204800x128xf32, #tpu.memory_space<hbm>> -> memref<128x128xf32, #tpu.memory_space<hbm>>
        %dma_wait3A_204 = arith.constant 0 : i32
        %dma_wait3A_205 = tpu.memref_slice %arg7[%mul3A_201, %dma_wait3A_204] : memref<204800x128xf32, #tpu.memory_space<hbm>> -> memref<128x128xf32, #tpu.memory_space<hbm>>
        tpu.wait_dma2 semaphore(%arg17 : memref<!tpu.dma_semaphore, #tpu.memory_space<semaphore_mem>>) src(%arg13 : memref<128x128xf32, #tpu.memory_space<vmem>>) dst(%dma_wait3A_205 : memref<128x128xf32, #tpu.memory_space<hbm>>)
      } else {
      }
      %mul3A_115 = arith.constant 128 : i32
      %mul3A_116 = arith.muli %add3A_106, %mul3A_115 : i32
      %jit3A = arith.constant 200 : i32
      %eq3A = arith.constant 0 : i32
      %eq3A_117 = arith.cmpi eq, %jit3A, %eq3A : i32
      %jit3A_118 = arith.constant 1 : i32
      %select_n3A = arith.select %eq3A_117, %jit3A_118, %jit3A : i32
      %rem3A = arith.remsi %mul3A_116, %select_n3A : i32
      %ne3A = arith.constant 0 : i32
      %ne3A_119 = arith.cmpi ne, %rem3A, %ne3A : i32
      %lt3A = arith.constant 0 : i32
      %lt3A_120 = arith.cmpi slt, %rem3A, %lt3A : i32
      %lt3A_121 = arith.constant 0 : i32
      %lt3A_122 = arith.cmpi slt, %select_n3A, %lt3A_121 : i32
      %ne3A_123 = arith.xori %lt3A_120, %lt3A_122 : i1
      %and3A = arith.andi %ne3A_123, %ne3A_119 : i1
      %add3A_124 = arith.addi %rem3A, %select_n3A : i32
      %select_n3A_125 = arith.select %and3A, %add3A_124, %rem3A : i32
      %parallel_loop3A = arith.constant 0 : i32
      %parallel_loop3A_126 = arith.constant 128 : i32
      %parallel_loop3A_127 = arith.constant 1 : i32
      scf.for %parallel_loop3A_196 = %parallel_loop3A to %parallel_loop3A_126 step %parallel_loop3A_127  : i32 {
        %parallel_loop3A_197 = arith.addi %select_n3A_125, %parallel_loop3A_196 : i32
        %parallel_loop3A_198 = arith.constant 200 : i32
        %parallel_loop3A_199 = arith.constant 0 : i32
        %parallel_loop3A_200 = arith.cmpi eq, %parallel_loop3A_198, %parallel_loop3A_199 : i32
        %parallel_loop3A_201 = arith.constant 1 : i32
        %parallel_loop3A_202 = arith.select %parallel_loop3A_200, %parallel_loop3A_201, %parallel_loop3A_198 : i32
        %parallel_loop3A_203 = arith.remsi %parallel_loop3A_197, %parallel_loop3A_202 : i32
        %parallel_loop3A_204 = arith.constant 0 : i32
        %parallel_loop3A_205 = arith.cmpi ne, %parallel_loop3A_203, %parallel_loop3A_204 : i32
        %parallel_loop3A_206 = arith.constant 0 : i32
        %parallel_loop3A_207 = arith.cmpi slt, %parallel_loop3A_203, %parallel_loop3A_206 : i32
        %parallel_loop3A_208 = arith.constant 0 : i32
        %parallel_loop3A_209 = arith.cmpi slt, %parallel_loop3A_202, %parallel_loop3A_208 : i32
        %parallel_loop3A_210 = arith.xori %parallel_loop3A_207, %parallel_loop3A_209 : i1
        %parallel_loop3A_211 = arith.andi %parallel_loop3A_210, %parallel_loop3A_205 : i1
        %parallel_loop3A_212 = arith.addi %parallel_loop3A_203, %parallel_loop3A_202 : i32
        %parallel_loop3A_213 = arith.select %parallel_loop3A_211, %parallel_loop3A_212, %parallel_loop3A_203 : i32
        %parallel_loop3A_214 = arith.index_cast %parallel_loop3A_196 : i32 to index
        %parallel_loop3A_215 = arith.constant 0 : index
        %parallel_loop3A_216 = tpu.vector_load %arg11[%parallel_loop3A_214, %parallel_loop3A_215] {strides = array<i32>} : memref<128x128xf32, #tpu.memory_space<vmem>>, vector<16xf32>,
        %parallel_loop3A_217 = arith.index_cast %parallel_loop3A_213 : i32 to index
        %parallel_loop3A_218 = arith.constant 0 : index
        %parallel_loop3A_219 = tpu.vector_load %arg9[%parallel_loop3A_217, %parallel_loop3A_218] {strides = array<i32>} : memref<200x128xf32, #tpu.memory_space<vmem>>, vector<16xf32>,
        %parallel_loop3A_220 = arith.addf %parallel_loop3A_216, %parallel_loop3A_219 : vector<16xf32>
        %parallel_loop3A_221 = arith.index_cast %parallel_loop3A_196 : i32 to index
        %parallel_loop3A_222 = arith.constant 16 : index
        %parallel_loop3A_223 = tpu.vector_load %arg11[%parallel_loop3A_221, %parallel_loop3A_222] {strides = array<i32>} : memref<128x128xf32, #tpu.memory_space<vmem>>, vector<16xf32>,
        %parallel_loop3A_224 = arith.index_cast %parallel_loop3A_213 : i32 to index
        %parallel_loop3A_225 = arith.constant 16 : index
        %parallel_loop3A_226 = tpu.vector_load %arg9[%parallel_loop3A_224, %parallel_loop3A_225] {strides = array<i32>} : memref<200x128xf32, #tpu.memory_space<vmem>>, vector<16xf32>,
        %parallel_loop3A_227 = arith.addf %parallel_loop3A_223, %parallel_loop3A_226 : vector<16xf32>
        %parallel_loop3A_228 = arith.index_cast %parallel_loop3A_196 : i32 to index
        %parallel_loop3A_229 = arith.constant 32 : index
        %parallel_loop3A_230 = tpu.vector_load %arg11[%parallel_loop3A_228, %parallel_loop3A_229] {strides = array<i32>} : memref<128x128xf32, #tpu.memory_space<vmem>>, vector<16xf32>,
        %parallel_loop3A_231 = arith.index_cast %parallel_loop3A_213 : i32 to index
        %parallel_loop3A_232 = arith.constant 32 : index
        %parallel_loop3A_233 = tpu.vector_load %arg9[%parallel_loop3A_231, %parallel_loop3A_232] {strides = array<i32>} : memref<200x128xf32, #tpu.memory_space<vmem>>, vector<16xf32>,
        %parallel_loop3A_234 = arith.addf %parallel_loop3A_230, %parallel_loop3A_233 : vector<16xf32>
        %parallel_loop3A_235 = arith.index_cast %parallel_loop3A_196 : i32 to index
        %parallel_loop3A_236 = arith.constant 48 : index
        %parallel_loop3A_237 = tpu.vector_load %arg11[%parallel_loop3A_235, %parallel_loop3A_236] {strides = array<i32>} : memref<128x128xf32, #tpu.memory_space<vmem>>, vector<16xf32>,
        %parallel_loop3A_238 = arith.index_cast %parallel_loop3A_213 : i32 to index
        %parallel_loop3A_239 = arith.constant 48 : index
        %parallel_loop3A_240 = tpu.vector_load %arg9[%parallel_loop3A_238, %parallel_loop3A_239] {strides = array<i32>} : memref<200x128xf32, #tpu.memory_space<vmem>>, vector<16xf32>,
        %parallel_loop3A_241 = arith.addf %parallel_loop3A_237, %parallel_loop3A_240 : vector<16xf32>
        %parallel_loop3A_242 = arith.index_cast %parallel_loop3A_196 : i32 to index
        %parallel_loop3A_243 = arith.constant 64 : index
        %parallel_loop3A_244 = tpu.vector_load %arg11[%parallel_loop3A_242, %parallel_loop3A_243] {strides = array<i32>} : memref<128x128xf32, #tpu.memory_space<vmem>>, vector<16xf32>,
        %parallel_loop3A_245 = arith.index_cast %parallel_loop3A_213 : i32 to index
        %parallel_loop3A_246 = arith.constant 64 : index
        %parallel_loop3A_247 = tpu.vector_load %arg9[%parallel_loop3A_245, %parallel_loop3A_246] {strides = array<i32>} : memref<200x128xf32, #tpu.memory_space<vmem>>, vector<16xf32>,
        %parallel_loop3A_248 = arith.addf %parallel_loop3A_244, %parallel_loop3A_247 : vector<16xf32>
        %parallel_loop3A_249 = arith.index_cast %parallel_loop3A_196 : i32 to index
        %parallel_loop3A_250 = arith.constant 80 : index
        %parallel_loop3A_251 = tpu.vector_load %arg11[%parallel_loop3A_249, %parallel_loop3A_250] {strides = array<i32>} : memref<128x128xf32, #tpu.memory_space<vmem>>, vector<16xf32>,
        %parallel_loop3A_252 = arith.index_cast %parallel_loop3A_213 : i32 to index
        %parallel_loop3A_253 = arith.constant 80 : index
        %parallel_loop3A_254 = tpu.vector_load %arg9[%parallel_loop3A_252, %parallel_loop3A_253] {strides = array<i32>} : memref<200x128xf32, #tpu.memory_space<vmem>>, vector<16xf32>,
        %parallel_loop3A_255 = arith.addf %parallel_loop3A_251, %parallel_loop3A_254 : vector<16xf32>
        %parallel_loop3A_256 = arith.index_cast %parallel_loop3A_196 : i32 to index
        %parallel_loop3A_257 = arith.constant 96 : index
        %parallel_loop3A_258 = tpu.vector_load %arg11[%parallel_loop3A_256, %parallel_loop3A_257] {strides = array<i32>} : memref<128x128xf32, #tpu.memory_space<vmem>>, vector<16xf32>,
        %parallel_loop3A_259 = arith.index_cast %parallel_loop3A_213 : i32 to index
        %parallel_loop3A_260 = arith.constant 96 : index
        %parallel_loop3A_261 = tpu.vector_load %arg9[%parallel_loop3A_259, %parallel_loop3A_260] {strides = array<i32>} : memref<200x128xf32, #tpu.memory_space<vmem>>, vector<16xf32>,
        %parallel_loop3A_262 = arith.addf %parallel_loop3A_258, %parallel_loop3A_261 : vector<16xf32>
        %parallel_loop3A_263 = arith.index_cast %parallel_loop3A_196 : i32 to index
        %parallel_loop3A_264 = arith.constant 112 : index
        %parallel_loop3A_265 = tpu.vector_load %arg11[%parallel_loop3A_263, %parallel_loop3A_264] {strides = array<i32>} : memref<128x128xf32, #tpu.memory_space<vmem>>, vector<16xf32>,
        %parallel_loop3A_266 = arith.index_cast %parallel_loop3A_213 : i32 to index
        %parallel_loop3A_267 = arith.constant 112 : index
        %parallel_loop3A_268 = tpu.vector_load %arg9[%parallel_loop3A_266, %parallel_loop3A_267] {strides = array<i32>} : memref<200x128xf32, #tpu.memory_space<vmem>>, vector<16xf32>,
        %parallel_loop3A_269 = arith.addf %parallel_loop3A_265, %parallel_loop3A_268 : vector<16xf32>
        %parallel_loop3A_270 = arith.mulf %parallel_loop3A_220, %parallel_loop3A_220 : vector<16xf32>
        %parallel_loop3A_271 = arith.addf %parallel_loop3A_220, %parallel_loop3A_227 : vector<16xf32>
        %parallel_loop3A_272 = arith.mulf %parallel_loop3A_227, %parallel_loop3A_227 : vector<16xf32>
        %parallel_loop3A_273 = arith.addf %parallel_loop3A_270, %parallel_loop3A_272 : vector<16xf32>
        %parallel_loop3A_274 = arith.addf %parallel_loop3A_271, %parallel_loop3A_234 : vector<16xf32>
        %parallel_loop3A_275 = arith.mulf %parallel_loop3A_234, %parallel_loop3A_234 : vector<16xf32>
        %parallel_loop3A_276 = arith.addf %parallel_loop3A_273, %parallel_loop3A_275 : vector<16xf32>
        %parallel_loop3A_277 = arith.addf %parallel_loop3A_274, %parallel_loop3A_241 : vector<16xf32>
        %parallel_loop3A_278 = arith.mulf %parallel_loop3A_241, %parallel_loop3A_241 : vector<16xf32>
        %parallel_loop3A_279 = arith.addf %parallel_loop3A_276, %parallel_loop3A_278 : vector<16xf32>
        %parallel_loop3A_280 = arith.addf %parallel_loop3A_277, %parallel_loop3A_248 : vector<16xf32>
        %parallel_loop3A_281 = arith.mulf %parallel_loop3A_248, %parallel_loop3A_248 : vector<16xf32>
        %parallel_loop3A_282 = arith.addf %parallel_loop3A_279, %parallel_loop3A_281 : vector<16xf32>
        %parallel_loop3A_283 = arith.addf %parallel_loop3A_280, %parallel_loop3A_255 : vector<16xf32>
        %parallel_loop3A_284 = arith.mulf %parallel_loop3A_255, %parallel_loop3A_255 : vector<16xf32>
        %parallel_loop3A_285 = arith.addf %parallel_loop3A_282, %parallel_loop3A_284 : vector<16xf32>
        %parallel_loop3A_286 = arith.addf %parallel_loop3A_283, %parallel_loop3A_262 : vector<16xf32>
        %parallel_loop3A_287 = arith.mulf %parallel_loop3A_262, %parallel_loop3A_262 : vector<16xf32>
        %parallel_loop3A_288 = arith.addf %parallel_loop3A_285, %parallel_loop3A_287 : vector<16xf32>
        %parallel_loop3A_289 = arith.addf %parallel_loop3A_286, %parallel_loop3A_269 : vector<16xf32>
        %parallel_loop3A_290 = arith.mulf %parallel_loop3A_269, %parallel_loop3A_269 : vector<16xf32>
        %parallel_loop3A_291 = arith.addf %parallel_loop3A_288, %parallel_loop3A_290 : vector<16xf32>
        %parallel_loop3A_292 = arith.constant true
        %parallel_loop3A_293 = vector.broadcast %parallel_loop3A_292 : i1 to vector<16xi1>
        %parallel_loop3A_294 = tpu.scan <sum>, %parallel_loop3A_289 masked %parallel_loop3A_293 : vector<16xf32>, vector<16xi1> -> vector<16xf32>
        %parallel_loop3A_295 = arith.constant 15 : i32
        %parallel_loop3A_296 = vector.broadcast %parallel_loop3A_295 : i32 to vector<16xi32>
        %parallel_loop3A_297 = tpu.iota {dimensions = array<i32: 0>} : vector<16xi32>
        %parallel_loop3A_298 = arith.subi %parallel_loop3A_296, %parallel_loop3A_297 : vector<16xi32>
        %parallel_loop3A_299 = tpu.dynamic_gather %parallel_loop3A_289[%parallel_loop3A_298] in [0] : vector<16xf32>, vector<16xi32> -> vector<16xf32>
        %parallel_loop3A_300 = arith.constant true
        %parallel_loop3A_301 = vector.broadcast %parallel_loop3A_300 : i1 to vector<16xi1>
        %parallel_loop3A_302 = tpu.scan <sum>, %parallel_loop3A_299 masked %parallel_loop3A_301 : vector<16xf32>, vector<16xi1> -> vector<16xf32>
        %parallel_loop3A_303 = arith.constant 15 : i32
        %parallel_loop3A_304 = vector.broadcast %parallel_loop3A_303 : i32 to vector<16xi32>
        %parallel_loop3A_305 = tpu.iota {dimensions = array<i32: 0>} : vector<16xi32>
        %parallel_loop3A_306 = arith.subi %parallel_loop3A_304, %parallel_loop3A_305 : vector<16xi32>
        %parallel_loop3A_307 = tpu.dynamic_gather %parallel_loop3A_302[%parallel_loop3A_306] in [0] : vector<16xf32>, vector<16xi32> -> vector<16xf32>
        %parallel_loop3A_308 = arith.addf %parallel_loop3A_294, %parallel_loop3A_307 : vector<16xf32>
        %parallel_loop3A_309 = arith.subf %parallel_loop3A_308, %parallel_loop3A_289 : vector<16xf32>
        %parallel_loop3A_310 = arith.constant 7.812500e-03 : f32
        %parallel_loop3A_311 = vector.broadcast %parallel_loop3A_310 : f32 to vector<16xf32>
        %parallel_loop3A_312 = arith.mulf %parallel_loop3A_309, %parallel_loop3A_311 : vector<16xf32>
        %parallel_loop3A_313 = arith.constant true
        %parallel_loop3A_314 = vector.broadcast %parallel_loop3A_313 : i1 to vector<16xi1>
        %parallel_loop3A_315 = tpu.scan <sum>, %parallel_loop3A_291 masked %parallel_loop3A_314 : vector<16xf32>, vector<16xi1> -> vector<16xf32>
        %parallel_loop3A_316 = arith.constant 15 : i32
        %parallel_loop3A_317 = vector.broadcast %parallel_loop3A_316 : i32 to vector<16xi32>
        %parallel_loop3A_318 = tpu.iota {dimensions = array<i32: 0>} : vector<16xi32>
        %parallel_loop3A_319 = arith.subi %parallel_loop3A_317, %parallel_loop3A_318 : vector<16xi32>
        %parallel_loop3A_320 = tpu.dynamic_gather %parallel_loop3A_291[%parallel_loop3A_319] in [0] : vector<16xf32>, vector<16xi32> -> vector<16xf32>
        %parallel_loop3A_321 = arith.constant true
        %parallel_loop3A_322 = vector.broadcast %parallel_loop3A_321 : i1 to vector<16xi1>
        %parallel_loop3A_323 = tpu.scan <sum>, %parallel_loop3A_320 masked %parallel_loop3A_322 : vector<16xf32>, vector<16xi1> -> vector<16xf32>
        %parallel_loop3A_324 = arith.constant 15 : i32
        %parallel_loop3A_325 = vector.broadcast %parallel_loop3A_324 : i32 to vector<16xi32>
        %parallel_loop3A_326 = tpu.iota {dimensions = array<i32: 0>} : vector<16xi32>
        %parallel_loop3A_327 = arith.subi %parallel_loop3A_325, %parallel_loop3A_326 : vector<16xi32>
        %parallel_loop3A_328 = tpu.dynamic_gather %parallel_loop3A_323[%parallel_loop3A_327] in [0] : vector<16xf32>, vector<16xi32> -> vector<16xf32>
        %parallel_loop3A_329 = arith.addf %parallel_loop3A_315, %parallel_loop3A_328 : vector<16xf32>
        %parallel_loop3A_330 = arith.subf %parallel_loop3A_329, %parallel_loop3A_291 : vector<16xf32>
        %parallel_loop3A_331 = arith.constant 7.812500e-03 : f32
        %parallel_loop3A_332 = vector.broadcast %parallel_loop3A_331 : f32 to vector<16xf32>
        %parallel_loop3A_333 = arith.mulf %parallel_loop3A_330, %parallel_loop3A_332 : vector<16xf32>
        %parallel_loop3A_334 = arith.mulf %parallel_loop3A_312, %parallel_loop3A_312 : vector<16xf32>
        %parallel_loop3A_335 = arith.subf %parallel_loop3A_333, %parallel_loop3A_334 : vector<16xf32>
        %parallel_loop3A_336 = arith.constant 9.99999974E-6 : f32
        %parallel_loop3A_337 = vector.broadcast %parallel_loop3A_336 : f32 to vector<16xf32>
        %parallel_loop3A_338 = arith.addf %parallel_loop3A_335, %parallel_loop3A_337 : vector<16xf32>
        %parallel_loop3A_339 = vector.bitcast %parallel_loop3A_338 : vector<16xf32> to vector<16xi32>
        %parallel_loop3A_340 = arith.constant 1 : i32
        %parallel_loop3A_341 = vector.broadcast %parallel_loop3A_340 : i32 to vector<16xi32>
        %parallel_loop3A_342 = arith.shrsi %parallel_loop3A_339, %parallel_loop3A_341 : vector<16xi32>
        %parallel_loop3A_343 = arith.constant 1597463007 : i32
        %parallel_loop3A_344 = vector.broadcast %parallel_loop3A_343 : i32 to vector<16xi32>
        %parallel_loop3A_345 = arith.subi %parallel_loop3A_344, %parallel_loop3A_342 : vector<16xi32>
        %parallel_loop3A_346 = vector.bitcast %parallel_loop3A_345 : vector<16xi32> to vector<16xf32>
        %parallel_loop3A_347 = arith.constant 5.000000e-01 : f32
        %parallel_loop3A_348 = vector.broadcast %parallel_loop3A_347 : f32 to vector<16xf32>
        %parallel_loop3A_349 = arith.mulf %parallel_loop3A_338, %parallel_loop3A_348 : vector<16xf32>
        %parallel_loop3A_350 = arith.mulf %parallel_loop3A_349, %parallel_loop3A_346 : vector<16xf32>
        %parallel_loop3A_351 = arith.mulf %parallel_loop3A_350, %parallel_loop3A_346 : vector<16xf32>
        %parallel_loop3A_352 = arith.constant 1.500000e+00 : f32
        %parallel_loop3A_353 = vector.broadcast %parallel_loop3A_352 : f32 to vector<16xf32>
        %parallel_loop3A_354 = arith.subf %parallel_loop3A_353, %parallel_loop3A_351 : vector<16xf32>
        %parallel_loop3A_355 = arith.mulf %parallel_loop3A_346, %parallel_loop3A_354 : vector<16xf32>
        %parallel_loop3A_356 = arith.mulf %parallel_loop3A_349, %parallel_loop3A_355 : vector<16xf32>
        %parallel_loop3A_357 = arith.mulf %parallel_loop3A_356, %parallel_loop3A_355 : vector<16xf32>
        %parallel_loop3A_358 = arith.constant 1.500000e+00 : f32
        %parallel_loop3A_359 = vector.broadcast %parallel_loop3A_358 : f32 to vector<16xf32>
        %parallel_loop3A_360 = arith.subf %parallel_loop3A_359, %parallel_loop3A_357 : vector<16xf32>
        %parallel_loop3A_361 = arith.mulf %parallel_loop3A_355, %parallel_loop3A_360 : vector<16xf32>
        %parallel_loop3A_362 = arith.mulf %parallel_loop3A_349, %parallel_loop3A_361 : vector<16xf32>
        %parallel_loop3A_363 = arith.mulf %parallel_loop3A_362, %parallel_loop3A_361 : vector<16xf32>
        %parallel_loop3A_364 = arith.constant 1.500000e+00 : f32
        %parallel_loop3A_365 = vector.broadcast %parallel_loop3A_364 : f32 to vector<16xf32>
        %parallel_loop3A_366 = arith.subf %parallel_loop3A_365, %parallel_loop3A_363 : vector<16xf32>
        %parallel_loop3A_367 = arith.mulf %parallel_loop3A_361, %parallel_loop3A_366 : vector<16xf32>
        %parallel_loop3A_368 = arith.subf %parallel_loop3A_220, %parallel_loop3A_312 : vector<16xf32>
        %parallel_loop3A_369 = arith.mulf %parallel_loop3A_368, %parallel_loop3A_367 : vector<16xf32>
        %parallel_loop3A_370 = arith.mulf %parallel_loop3A_369, %get3A_4 : vector<16xf32>
        %parallel_loop3A_371 = arith.addf %parallel_loop3A_370, %get3A_36 : vector<16xf32>
        %parallel_loop3A_372 = arith.index_cast %parallel_loop3A_196 : i32 to index
        %parallel_loop3A_373 = arith.constant 0 : index
        %parallel_loop3A_374 = tpu.vector_load %arg13[%parallel_loop3A_372, %parallel_loop3A_373] {strides = array<i32>} : memref<128x128xf32, #tpu.memory_space<vmem>>, vector<16xf32>,
        tpu.vector_store %arg13[%parallel_loop3A_372, %parallel_loop3A_373], %parallel_loop3A_371 {strides = array<i32>} : memref<128x128xf32, #tpu.memory_space<vmem>>, vector<16xf32>,
        %parallel_loop3A_375 = arith.subf %parallel_loop3A_227, %parallel_loop3A_312 : vector<16xf32>
        %parallel_loop3A_376 = arith.mulf %parallel_loop3A_375, %parallel_loop3A_367 : vector<16xf32>
        %parallel_loop3A_377 = arith.mulf %parallel_loop3A_376, %get3A_8 : vector<16xf32>
        %parallel_loop3A_378 = arith.addf %parallel_loop3A_377, %get3A_40 : vector<16xf32>
        %parallel_loop3A_379 = arith.index_cast %parallel_loop3A_196 : i32 to index
        %parallel_loop3A_380 = arith.constant 16 : index
        %parallel_loop3A_381 = tpu.vector_load %arg13[%parallel_loop3A_379, %parallel_loop3A_380] {strides = array<i32>} : memref<128x128xf32, #tpu.memory_space<vmem>>, vector<16xf32>,
        tpu.vector_store %arg13[%parallel_loop3A_379, %parallel_loop3A_380], %parallel_loop3A_378 {strides = array<i32>} : memref<128x128xf32, #tpu.memory_space<vmem>>, vector<16xf32>,
        %parallel_loop3A_382 = arith.subf %parallel_loop3A_234, %parallel_loop3A_312 : vector<16xf32>
        %parallel_loop3A_383 = arith.mulf %parallel_loop3A_382, %parallel_loop3A_367 : vector<16xf32>
        %parallel_loop3A_384 = arith.mulf %parallel_loop3A_383, %get3A_12 : vector<16xf32>
        %parallel_loop3A_385 = arith.addf %parallel_loop3A_384, %get3A_44 : vector<16xf32>
        %parallel_loop3A_386 = arith.index_cast %parallel_loop3A_196 : i32 to index
        %parallel_loop3A_387 = arith.constant 32 : index
        %parallel_loop3A_388 = tpu.vector_load %arg13[%parallel_loop3A_386, %parallel_loop3A_387] {strides = array<i32>} : memref<128x128xf32, #tpu.memory_space<vmem>>, vector<16xf32>,
        tpu.vector_store %arg13[%parallel_loop3A_386, %parallel_loop3A_387], %parallel_loop3A_385 {strides = array<i32>} : memref<128x128xf32, #tpu.memory_space<vmem>>, vector<16xf32>,
        %parallel_loop3A_389 = arith.subf %parallel_loop3A_241, %parallel_loop3A_312 : vector<16xf32>
        %parallel_loop3A_390 = arith.mulf %parallel_loop3A_389, %parallel_loop3A_367 : vector<16xf32>
        %parallel_loop3A_391 = arith.mulf %parallel_loop3A_390, %get3A_16 : vector<16xf32>
        %parallel_loop3A_392 = arith.addf %parallel_loop3A_391, %get3A_48 : vector<16xf32>
        %parallel_loop3A_393 = arith.index_cast %parallel_loop3A_196 : i32 to index
        %parallel_loop3A_394 = arith.constant 48 : index
        %parallel_loop3A_395 = tpu.vector_load %arg13[%parallel_loop3A_393, %parallel_loop3A_394] {strides = array<i32>} : memref<128x128xf32, #tpu.memory_space<vmem>>, vector<16xf32>,
        tpu.vector_store %arg13[%parallel_loop3A_393, %parallel_loop3A_394], %parallel_loop3A_392 {strides = array<i32>} : memref<128x128xf32, #tpu.memory_space<vmem>>, vector<16xf32>,
        %parallel_loop3A_396 = arith.subf %parallel_loop3A_248, %parallel_loop3A_312 : vector<16xf32>
        %parallel_loop3A_397 = arith.mulf %parallel_loop3A_396, %parallel_loop3A_367 : vector<16xf32>
        %parallel_loop3A_398 = arith.mulf %parallel_loop3A_397, %get3A_20 : vector<16xf32>
        %parallel_loop3A_399 = arith.addf %parallel_loop3A_398, %get3A_52 : vector<16xf32>
        %parallel_loop3A_400 = arith.index_cast %parallel_loop3A_196 : i32 to index
        %parallel_loop3A_401 = arith.constant 64 : index
        %parallel_loop3A_402 = tpu.vector_load %arg13[%parallel_loop3A_400, %parallel_loop3A_401] {strides = array<i32>} : memref<128x128xf32, #tpu.memory_space<vmem>>, vector<16xf32>,
        tpu.vector_store %arg13[%parallel_loop3A_400, %parallel_loop3A_401], %parallel_loop3A_399 {strides = array<i32>} : memref<128x128xf32, #tpu.memory_space<vmem>>, vector<16xf32>,
        %parallel_loop3A_403 = arith.subf %parallel_loop3A_255, %parallel_loop3A_312 : vector<16xf32>
        %parallel_loop3A_404 = arith.mulf %parallel_loop3A_403, %parallel_loop3A_367 : vector<16xf32>
        %parallel_loop3A_405 = arith.mulf %parallel_loop3A_404, %get3A_24 : vector<16xf32>
        %parallel_loop3A_406 = arith.addf %parallel_loop3A_405, %get3A_56 : vector<16xf32>
        %parallel_loop3A_407 = arith.index_cast %parallel_loop3A_196 : i32 to index
        %parallel_loop3A_408 = arith.constant 80 : index
        %parallel_loop3A_409 = tpu.vector_load %arg13[%parallel_loop3A_407, %parallel_loop3A_408] {strides = array<i32>} : memref<128x128xf32, #tpu.memory_space<vmem>>, vector<16xf32>,
        tpu.vector_store %arg13[%parallel_loop3A_407, %parallel_loop3A_408], %parallel_loop3A_406 {strides = array<i32>} : memref<128x128xf32, #tpu.memory_space<vmem>>, vector<16xf32>,
        %parallel_loop3A_410 = arith.subf %parallel_loop3A_262, %parallel_loop3A_312 : vector<16xf32>
        %parallel_loop3A_411 = arith.mulf %parallel_loop3A_410, %parallel_loop3A_367 : vector<16xf32>
        %parallel_loop3A_412 = arith.mulf %parallel_loop3A_411, %get3A_28 : vector<16xf32>
        %parallel_loop3A_413 = arith.addf %parallel_loop3A_412, %get3A_60 : vector<16xf32>
        %parallel_loop3A_414 = arith.index_cast %parallel_loop3A_196 : i32 to index
        %parallel_loop3A_415 = arith.constant 96 : index
        %parallel_loop3A_416 = tpu.vector_load %arg13[%parallel_loop3A_414, %parallel_loop3A_415] {strides = array<i32>} : memref<128x128xf32, #tpu.memory_space<vmem>>, vector<16xf32>,
        tpu.vector_store %arg13[%parallel_loop3A_414, %parallel_loop3A_415], %parallel_loop3A_413 {strides = array<i32>} : memref<128x128xf32, #tpu.memory_space<vmem>>, vector<16xf32>,
        %parallel_loop3A_417 = arith.subf %parallel_loop3A_269, %parallel_loop3A_312 : vector<16xf32>
        %parallel_loop3A_418 = arith.mulf %parallel_loop3A_417, %parallel_loop3A_367 : vector<16xf32>
        %parallel_loop3A_419 = arith.mulf %parallel_loop3A_418, %get3A_32 : vector<16xf32>
        %parallel_loop3A_420 = arith.addf %parallel_loop3A_419, %get3A_64 : vector<16xf32>
        %parallel_loop3A_421 = arith.index_cast %parallel_loop3A_196 : i32 to index
        %parallel_loop3A_422 = arith.constant 112 : index
        %parallel_loop3A_423 = tpu.vector_load %arg13[%parallel_loop3A_421, %parallel_loop3A_422] {strides = array<i32>} : memref<128x128xf32, #tpu.memory_space<vmem>>, vector<16xf32>,
        tpu.vector_store %arg13[%parallel_loop3A_421, %parallel_loop3A_422], %parallel_loop3A_420 {strides = array<i32>} : memref<128x128xf32, #tpu.memory_space<vmem>>, vector<16xf32>,
      } {sc.loop_unroll_factor = 8 : i64, sc.parallel_access}
      %mul3A_128 = arith.constant 50 : i32
      %mul3A_129 = arith.muli %add3A, %mul3A_128 : i32
      %add3A_130 = arith.addi %mul3A_129, %add3A_106 : i32
      %mul3A_131 = arith.constant 128 : i32
      %mul3A_132 = arith.muli %add3A_130, %mul3A_131 : i32
      %dma_start3A_133 = arith.constant 0 : i32
      %dma_start3A_134 = tpu.memref_slice %arg7[%mul3A_132, %dma_start3A_133] : memref<204800x128xf32, #tpu.memory_space<hbm>> -> memref<128x128xf32, #tpu.memory_space<hbm>>
      %dma_start3A_135 = arith.constant 0 : i32
      %dma_start3A_136 = tpu.memref_slice %arg7[%mul3A_132, %dma_start3A_135] : memref<204800x128xf32, #tpu.memory_space<hbm>> -> memref<128x128xf32, #tpu.memory_space<hbm>>
      tpu.enqueue_dma source(%arg13 : memref<128x128xf32, #tpu.memory_space<vmem>>) target(%dma_start3A_136 : memref<128x128xf32, #tpu.memory_space<hbm>>) target_semaphore(%arg17 : memref<!tpu.dma_semaphore, #tpu.memory_space<semaphore_mem>>)
      %add3A_137 = arith.constant 2 : i32
      %add3A_138 = arith.addi %add3A_106, %add3A_137 : i32
      %lt3A_139 = arith.constant 50 : i32
      %lt3A_140 = arith.cmpi slt, %add3A_138, %lt3A_139 : i32
      %convert_element_type3A_141 = arith.extui %lt3A_140 : i1 to i32
      %cond3A_142 = arith.constant 0 : i32
      %cond3A_143 = arith.cmpi ne, %convert_element_type3A_141, %cond3A_142 : i32
      scf.if %cond3A_143 {
        %add3A_196 = arith.constant 2 : i32
        %add3A_197 = arith.addi %add3A_106, %add3A_196 : i32
        %dma_start3A_198 = arith.constant 0 : i32
        %dma_start3A_199 = tpu.memref_slice %arg8[%add3A_197, %dma_start3A_198] : memref<50x128xi32, #tpu.memory_space<vmem>> -> memref<1x128xi32, #tpu.memory_space<vmem>>
        %dma_start3A_200 = tpu.memref_squeeze %dma_start3A_199 : memref<1x128xi32, #tpu.memory_space<vmem>> -> memref<128xi32, #tpu.memory_space<vmem>>
        %dma_start3A_201 = arith.constant 0 : i32
        %dma_start3A_202 = arith.constant 0 : i32
        %dma_start3A_203 = tpu.memref_slice %arg3[%dma_start3A_201, %dma_start3A_202] : memref<100000x128xf32, #tpu.memory_space<hbm>> -> memref<100000x128xf32, #tpu.memory_space<hbm>>
        tpu.enqueue_indirect_dma source(%dma_start3A_203 : memref<100000x128xf32, #tpu.memory_space<hbm>>) target(%arg11 : memref<128x128xf32, #tpu.memory_space<vmem>>) offsets(%dma_start3A_200 : memref<128xi32, #tpu.memory_space<vmem>>) semaphore(%arg15 : memref<!tpu.dma_semaphore, #tpu.memory_space<semaphore_mem>>)
      } else {
      }
      %mul3A_144 = arith.constant 2 : i32
      %mul3A_145 = arith.muli %scan3A_102, %mul3A_144 : i32
      %add3A_146 = arith.constant 1 : i32
      %add3A_147 = arith.addi %mul3A_145, %add3A_146 : i32
      %dma_wait3A_148 = arith.constant 0 : i32
      %dma_wait3A_149 = tpu.memref_slice %arg8[%add3A_147, %dma_wait3A_148] : memref<50x128xi32, #tpu.memory_space<vmem>> -> memref<1x128xi32, #tpu.memory_space<vmem>>
      %dma_wait3A_150 = tpu.memref_squeeze %dma_wait3A_149 : memref<1x128xi32, #tpu.memory_space<vmem>> -> memref<128xi32, #tpu.memory_space<vmem>>
      %dma_wait3A_151 = arith.constant 0 : i32
      %dma_wait3A_152 = arith.constant 0 : i32
      %dma_wait3A_153 = tpu.memref_slice %arg3[%dma_wait3A_151, %dma_wait3A_152] : memref<100000x128xf32, #tpu.memory_space<hbm>> -> memref<100000x128xf32, #tpu.memory_space<hbm>>
      tpu.wait_indirect_dma semaphore(%arg16 : memref<!tpu.dma_semaphore, #tpu.memory_space<semaphore_mem>>) src(%dma_wait3A_153 : memref<100000x128xf32, #tpu.memory_space<hbm>>) dst(%arg12 : memref<128x128xf32, #tpu.memory_space<vmem>>)
      %ge3A_154 = arith.constant 2 : i32
      %ge3A_155 = arith.cmpi sge, %add3A_147, %ge3A_154 : i32
      %convert_element_type3A_156 = arith.extui %ge3A_155 : i1 to i32
      %cond3A_157 = arith.constant 0 : i32
      %cond3A_158 = arith.cmpi ne, %convert_element_type3A_156, %cond3A_157 : i32
      scf.if %cond3A_158 {
        %sub3A = arith.constant 2 : i32
        %sub3A_196 = arith.subi %add3A_147, %sub3A : i32
        %mul3A_197 = arith.constant 50 : i32
        %mul3A_198 = arith.muli %add3A, %mul3A_197 : i32
        %add3A_199 = arith.addi %mul3A_198, %sub3A_196 : i32
        %mul3A_200 = arith.constant 128 : i32
        %mul3A_201 = arith.muli %add3A_199, %mul3A_200 : i32
        %dma_wait3A_202 = arith.constant 0 : i32
        %dma_wait3A_203 = tpu.memref_slice %arg7[%mul3A_201, %dma_wait3A_202] : memref<204800x128xf32, #tpu.memory_space<hbm>> -> memref<128x128xf32, #tpu.memory_space<hbm>>
        %dma_wait3A_204 = arith.constant 0 : i32
        %dma_wait3A_205 = tpu.memref_slice %arg7[%mul3A_201, %dma_wait3A_204] : memref<204800x128xf32, #tpu.memory_space<hbm>> -> memref<128x128xf32, #tpu.memory_space<hbm>>
        tpu.wait_dma2 semaphore(%arg18 : memref<!tpu.dma_semaphore, #tpu.memory_space<semaphore_mem>>) src(%arg14 : memref<128x128xf32, #tpu.memory_space<vmem>>) dst(%dma_wait3A_205 : memref<128x128xf32, #tpu.memory_space<hbm>>)
      } else {
      }
      %mul3A_159 = arith.constant 128 : i32
      %mul3A_160 = arith.muli %add3A_147, %mul3A_159 : i32
      %jit3A_161 = arith.constant 200 : i32
      %eq3A_162 = arith.constant 0 : i32
      %eq3A_163 = arith.cmpi eq, %jit3A_161, %eq3A_162 : i32
      %jit3A_164 = arith.constant 1 : i32
      %select_n3A_165 = arith.select %eq3A_163, %jit3A_164, %jit3A_161 : i32
      %rem3A_166 = arith.remsi %mul3A_160, %select_n3A_165 : i32
      %ne3A_167 = arith.constant 0 : i32
      %ne3A_168 = arith.cmpi ne, %rem3A_166, %ne3A_167 : i32
      %lt3A_169 = arith.constant 0 : i32
      %lt3A_170 = arith.cmpi slt, %rem3A_166, %lt3A_169 : i32
      %lt3A_171 = arith.constant 0 : i32
      %lt3A_172 = arith.cmpi slt, %select_n3A_165, %lt3A_171 : i32
      %ne3A_173 = arith.xori %lt3A_170, %lt3A_172 : i1
      %and3A_174 = arith.andi %ne3A_173, %ne3A_168 : i1
      %add3A_175 = arith.addi %rem3A_166, %select_n3A_165 : i32
      %select_n3A_176 = arith.select %and3A_174, %add3A_175, %rem3A_166 : i32
      %parallel_loop3A_177 = arith.constant 0 : i32
      %parallel_loop3A_178 = arith.constant 128 : i32
      %parallel_loop3A_179 = arith.constant 1 : i32
      scf.for %parallel_loop3A_196 = %parallel_loop3A_177 to %parallel_loop3A_178 step %parallel_loop3A_179  : i32 {
        %parallel_loop3A_197 = arith.addi %select_n3A_176, %parallel_loop3A_196 : i32
        %parallel_loop3A_198 = arith.constant 200 : i32
        %parallel_loop3A_199 = arith.constant 0 : i32
        %parallel_loop3A_200 = arith.cmpi eq, %parallel_loop3A_198, %parallel_loop3A_199 : i32
        %parallel_loop3A_201 = arith.constant 1 : i32
        %parallel_loop3A_202 = arith.select %parallel_loop3A_200, %parallel_loop3A_201, %parallel_loop3A_198 : i32
        %parallel_loop3A_203 = arith.remsi %parallel_loop3A_197, %parallel_loop3A_202 : i32
        %parallel_loop3A_204 = arith.constant 0 : i32
        %parallel_loop3A_205 = arith.cmpi ne, %parallel_loop3A_203, %parallel_loop3A_204 : i32
        %parallel_loop3A_206 = arith.constant 0 : i32
        %parallel_loop3A_207 = arith.cmpi slt, %parallel_loop3A_203, %parallel_loop3A_206 : i32
        %parallel_loop3A_208 = arith.constant 0 : i32
        %parallel_loop3A_209 = arith.cmpi slt, %parallel_loop3A_202, %parallel_loop3A_208 : i32
        %parallel_loop3A_210 = arith.xori %parallel_loop3A_207, %parallel_loop3A_209 : i1
        %parallel_loop3A_211 = arith.andi %parallel_loop3A_210, %parallel_loop3A_205 : i1
        %parallel_loop3A_212 = arith.addi %parallel_loop3A_203, %parallel_loop3A_202 : i32
        %parallel_loop3A_213 = arith.select %parallel_loop3A_211, %parallel_loop3A_212, %parallel_loop3A_203 : i32
        %parallel_loop3A_214 = arith.index_cast %parallel_loop3A_196 : i32 to index
        %parallel_loop3A_215 = arith.constant 0 : index
        %parallel_loop3A_216 = tpu.vector_load %arg12[%parallel_loop3A_214, %parallel_loop3A_215] {strides = array<i32>} : memref<128x128xf32, #tpu.memory_space<vmem>>, vector<16xf32>,
        %parallel_loop3A_217 = arith.index_cast %parallel_loop3A_213 : i32 to index
        %parallel_loop3A_218 = arith.constant 0 : index
        %parallel_loop3A_219 = tpu.vector_load %arg9[%parallel_loop3A_217, %parallel_loop3A_218] {strides = array<i32>} : memref<200x128xf32, #tpu.memory_space<vmem>>, vector<16xf32>,
        %parallel_loop3A_220 = arith.addf %parallel_loop3A_216, %parallel_loop3A_219 : vector<16xf32>
        %parallel_loop3A_221 = arith.index_cast %parallel_loop3A_196 : i32 to index
        %parallel_loop3A_222 = arith.constant 16 : index
        %parallel_loop3A_223 = tpu.vector_load %arg12[%parallel_loop3A_221, %parallel_loop3A_222] {strides = array<i32>} : memref<128x128xf32, #tpu.memory_space<vmem>>, vector<16xf32>,
        %parallel_loop3A_224 = arith.index_cast %parallel_loop3A_213 : i32 to index
        %parallel_loop3A_225 = arith.constant 16 : index
        %parallel_loop3A_226 = tpu.vector_load %arg9[%parallel_loop3A_224, %parallel_loop3A_225] {strides = array<i32>} : memref<200x128xf32, #tpu.memory_space<vmem>>, vector<16xf32>,
        %parallel_loop3A_227 = arith.addf %parallel_loop3A_223, %parallel_loop3A_226 : vector<16xf32>
        %parallel_loop3A_228 = arith.index_cast %parallel_loop3A_196 : i32 to index
        %parallel_loop3A_229 = arith.constant 32 : index
        %parallel_loop3A_230 = tpu.vector_load %arg12[%parallel_loop3A_228, %parallel_loop3A_229] {strides = array<i32>} : memref<128x128xf32, #tpu.memory_space<vmem>>, vector<16xf32>,
        %parallel_loop3A_231 = arith.index_cast %parallel_loop3A_213 : i32 to index
        %parallel_loop3A_232 = arith.constant 32 : index
        %parallel_loop3A_233 = tpu.vector_load %arg9[%parallel_loop3A_231, %parallel_loop3A_232] {strides = array<i32>} : memref<200x128xf32, #tpu.memory_space<vmem>>, vector<16xf32>,
        %parallel_loop3A_234 = arith.addf %parallel_loop3A_230, %parallel_loop3A_233 : vector<16xf32>
        %parallel_loop3A_235 = arith.index_cast %parallel_loop3A_196 : i32 to index
        %parallel_loop3A_236 = arith.constant 48 : index
        %parallel_loop3A_237 = tpu.vector_load %arg12[%parallel_loop3A_235, %parallel_loop3A_236] {strides = array<i32>} : memref<128x128xf32, #tpu.memory_space<vmem>>, vector<16xf32>,
        %parallel_loop3A_238 = arith.index_cast %parallel_loop3A_213 : i32 to index
        %parallel_loop3A_239 = arith.constant 48 : index
        %parallel_loop3A_240 = tpu.vector_load %arg9[%parallel_loop3A_238, %parallel_loop3A_239] {strides = array<i32>} : memref<200x128xf32, #tpu.memory_space<vmem>>, vector<16xf32>,
        %parallel_loop3A_241 = arith.addf %parallel_loop3A_237, %parallel_loop3A_240 : vector<16xf32>
        %parallel_loop3A_242 = arith.index_cast %parallel_loop3A_196 : i32 to index
        %parallel_loop3A_243 = arith.constant 64 : index
        %parallel_loop3A_244 = tpu.vector_load %arg12[%parallel_loop3A_242, %parallel_loop3A_243] {strides = array<i32>} : memref<128x128xf32, #tpu.memory_space<vmem>>, vector<16xf32>,
        %parallel_loop3A_245 = arith.index_cast %parallel_loop3A_213 : i32 to index
        %parallel_loop3A_246 = arith.constant 64 : index
        %parallel_loop3A_247 = tpu.vector_load %arg9[%parallel_loop3A_245, %parallel_loop3A_246] {strides = array<i32>} : memref<200x128xf32, #tpu.memory_space<vmem>>, vector<16xf32>,
        %parallel_loop3A_248 = arith.addf %parallel_loop3A_244, %parallel_loop3A_247 : vector<16xf32>
        %parallel_loop3A_249 = arith.index_cast %parallel_loop3A_196 : i32 to index
        %parallel_loop3A_250 = arith.constant 80 : index
        %parallel_loop3A_251 = tpu.vector_load %arg12[%parallel_loop3A_249, %parallel_loop3A_250] {strides = array<i32>} : memref<128x128xf32, #tpu.memory_space<vmem>>, vector<16xf32>,
        %parallel_loop3A_252 = arith.index_cast %parallel_loop3A_213 : i32 to index
        %parallel_loop3A_253 = arith.constant 80 : index
        %parallel_loop3A_254 = tpu.vector_load %arg9[%parallel_loop3A_252, %parallel_loop3A_253] {strides = array<i32>} : memref<200x128xf32, #tpu.memory_space<vmem>>, vector<16xf32>,
        %parallel_loop3A_255 = arith.addf %parallel_loop3A_251, %parallel_loop3A_254 : vector<16xf32>
        %parallel_loop3A_256 = arith.index_cast %parallel_loop3A_196 : i32 to index
        %parallel_loop3A_257 = arith.constant 96 : index
        %parallel_loop3A_258 = tpu.vector_load %arg12[%parallel_loop3A_256, %parallel_loop3A_257] {strides = array<i32>} : memref<128x128xf32, #tpu.memory_space<vmem>>, vector<16xf32>,
        %parallel_loop3A_259 = arith.index_cast %parallel_loop3A_213 : i32 to index
        %parallel_loop3A_260 = arith.constant 96 : index
        %parallel_loop3A_261 = tpu.vector_load %arg9[%parallel_loop3A_259, %parallel_loop3A_260] {strides = array<i32>} : memref<200x128xf32, #tpu.memory_space<vmem>>, vector<16xf32>,
        %parallel_loop3A_262 = arith.addf %parallel_loop3A_258, %parallel_loop3A_261 : vector<16xf32>
        %parallel_loop3A_263 = arith.index_cast %parallel_loop3A_196 : i32 to index
        %parallel_loop3A_264 = arith.constant 112 : index
        %parallel_loop3A_265 = tpu.vector_load %arg12[%parallel_loop3A_263, %parallel_loop3A_264] {strides = array<i32>} : memref<128x128xf32, #tpu.memory_space<vmem>>, vector<16xf32>,
        %parallel_loop3A_266 = arith.index_cast %parallel_loop3A_213 : i32 to index
        %parallel_loop3A_267 = arith.constant 112 : index
        %parallel_loop3A_268 = tpu.vector_load %arg9[%parallel_loop3A_266, %parallel_loop3A_267] {strides = array<i32>} : memref<200x128xf32, #tpu.memory_space<vmem>>, vector<16xf32>,
        %parallel_loop3A_269 = arith.addf %parallel_loop3A_265, %parallel_loop3A_268 : vector<16xf32>
        %parallel_loop3A_270 = arith.mulf %parallel_loop3A_220, %parallel_loop3A_220 : vector<16xf32>
        %parallel_loop3A_271 = arith.addf %parallel_loop3A_220, %parallel_loop3A_227 : vector<16xf32>
        %parallel_loop3A_272 = arith.mulf %parallel_loop3A_227, %parallel_loop3A_227 : vector<16xf32>
        %parallel_loop3A_273 = arith.addf %parallel_loop3A_270, %parallel_loop3A_272 : vector<16xf32>
        %parallel_loop3A_274 = arith.addf %parallel_loop3A_271, %parallel_loop3A_234 : vector<16xf32>
        %parallel_loop3A_275 = arith.mulf %parallel_loop3A_234, %parallel_loop3A_234 : vector<16xf32>
        %parallel_loop3A_276 = arith.addf %parallel_loop3A_273, %parallel_loop3A_275 : vector<16xf32>
        %parallel_loop3A_277 = arith.addf %parallel_loop3A_274, %parallel_loop3A_241 : vector<16xf32>
        %parallel_loop3A_278 = arith.mulf %parallel_loop3A_241, %parallel_loop3A_241 : vector<16xf32>
        %parallel_loop3A_279 = arith.addf %parallel_loop3A_276, %parallel_loop3A_278 : vector<16xf32>
        %parallel_loop3A_280 = arith.addf %parallel_loop3A_277, %parallel_loop3A_248 : vector<16xf32>
        %parallel_loop3A_281 = arith.mulf %parallel_loop3A_248, %parallel_loop3A_248 : vector<16xf32>
        %parallel_loop3A_282 = arith.addf %parallel_loop3A_279, %parallel_loop3A_281 : vector<16xf32>
        %parallel_loop3A_283 = arith.addf %parallel_loop3A_280, %parallel_loop3A_255 : vector<16xf32>
        %parallel_loop3A_284 = arith.mulf %parallel_loop3A_255, %parallel_loop3A_255 : vector<16xf32>
        %parallel_loop3A_285 = arith.addf %parallel_loop3A_282, %parallel_loop3A_284 : vector<16xf32>
        %parallel_loop3A_286 = arith.addf %parallel_loop3A_283, %parallel_loop3A_262 : vector<16xf32>
        %parallel_loop3A_287 = arith.mulf %parallel_loop3A_262, %parallel_loop3A_262 : vector<16xf32>
        %parallel_loop3A_288 = arith.addf %parallel_loop3A_285, %parallel_loop3A_287 : vector<16xf32>
        %parallel_loop3A_289 = arith.addf %parallel_loop3A_286, %parallel_loop3A_269 : vector<16xf32>
        %parallel_loop3A_290 = arith.mulf %parallel_loop3A_269, %parallel_loop3A_269 : vector<16xf32>
        %parallel_loop3A_291 = arith.addf %parallel_loop3A_288, %parallel_loop3A_290 : vector<16xf32>
        %parallel_loop3A_292 = arith.constant true
        %parallel_loop3A_293 = vector.broadcast %parallel_loop3A_292 : i1 to vector<16xi1>
        %parallel_loop3A_294 = tpu.scan <sum>, %parallel_loop3A_289 masked %parallel_loop3A_293 : vector<16xf32>, vector<16xi1> -> vector<16xf32>
        %parallel_loop3A_295 = arith.constant 15 : i32
        %parallel_loop3A_296 = vector.broadcast %parallel_loop3A_295 : i32 to vector<16xi32>
        %parallel_loop3A_297 = tpu.iota {dimensions = array<i32: 0>} : vector<16xi32>
        %parallel_loop3A_298 = arith.subi %parallel_loop3A_296, %parallel_loop3A_297 : vector<16xi32>
        %parallel_loop3A_299 = tpu.dynamic_gather %parallel_loop3A_289[%parallel_loop3A_298] in [0] : vector<16xf32>, vector<16xi32> -> vector<16xf32>
        %parallel_loop3A_300 = arith.constant true
        %parallel_loop3A_301 = vector.broadcast %parallel_loop3A_300 : i1 to vector<16xi1>
        %parallel_loop3A_302 = tpu.scan <sum>, %parallel_loop3A_299 masked %parallel_loop3A_301 : vector<16xf32>, vector<16xi1> -> vector<16xf32>
        %parallel_loop3A_303 = arith.constant 15 : i32
        %parallel_loop3A_304 = vector.broadcast %parallel_loop3A_303 : i32 to vector<16xi32>
        %parallel_loop3A_305 = tpu.iota {dimensions = array<i32: 0>} : vector<16xi32>
        %parallel_loop3A_306 = arith.subi %parallel_loop3A_304, %parallel_loop3A_305 : vector<16xi32>
        %parallel_loop3A_307 = tpu.dynamic_gather %parallel_loop3A_302[%parallel_loop3A_306] in [0] : vector<16xf32>, vector<16xi32> -> vector<16xf32>
        %parallel_loop3A_308 = arith.addf %parallel_loop3A_294, %parallel_loop3A_307 : vector<16xf32>
        %parallel_loop3A_309 = arith.subf %parallel_loop3A_308, %parallel_loop3A_289 : vector<16xf32>
        %parallel_loop3A_310 = arith.constant 7.812500e-03 : f32
        %parallel_loop3A_311 = vector.broadcast %parallel_loop3A_310 : f32 to vector<16xf32>
        %parallel_loop3A_312 = arith.mulf %parallel_loop3A_309, %parallel_loop3A_311 : vector<16xf32>
        %parallel_loop3A_313 = arith.constant true
        %parallel_loop3A_314 = vector.broadcast %parallel_loop3A_313 : i1 to vector<16xi1>
        %parallel_loop3A_315 = tpu.scan <sum>, %parallel_loop3A_291 masked %parallel_loop3A_314 : vector<16xf32>, vector<16xi1> -> vector<16xf32>
        %parallel_loop3A_316 = arith.constant 15 : i32
        %parallel_loop3A_317 = vector.broadcast %parallel_loop3A_316 : i32 to vector<16xi32>
        %parallel_loop3A_318 = tpu.iota {dimensions = array<i32: 0>} : vector<16xi32>
        %parallel_loop3A_319 = arith.subi %parallel_loop3A_317, %parallel_loop3A_318 : vector<16xi32>
        %parallel_loop3A_320 = tpu.dynamic_gather %parallel_loop3A_291[%parallel_loop3A_319] in [0] : vector<16xf32>, vector<16xi32> -> vector<16xf32>
        %parallel_loop3A_321 = arith.constant true
        %parallel_loop3A_322 = vector.broadcast %parallel_loop3A_321 : i1 to vector<16xi1>
        %parallel_loop3A_323 = tpu.scan <sum>, %parallel_loop3A_320 masked %parallel_loop3A_322 : vector<16xf32>, vector<16xi1> -> vector<16xf32>
        %parallel_loop3A_324 = arith.constant 15 : i32
        %parallel_loop3A_325 = vector.broadcast %parallel_loop3A_324 : i32 to vector<16xi32>
        %parallel_loop3A_326 = tpu.iota {dimensions = array<i32: 0>} : vector<16xi32>
        %parallel_loop3A_327 = arith.subi %parallel_loop3A_325, %parallel_loop3A_326 : vector<16xi32>
        %parallel_loop3A_328 = tpu.dynamic_gather %parallel_loop3A_323[%parallel_loop3A_327] in [0] : vector<16xf32>, vector<16xi32> -> vector<16xf32>
        %parallel_loop3A_329 = arith.addf %parallel_loop3A_315, %parallel_loop3A_328 : vector<16xf32>
        %parallel_loop3A_330 = arith.subf %parallel_loop3A_329, %parallel_loop3A_291 : vector<16xf32>
        %parallel_loop3A_331 = arith.constant 7.812500e-03 : f32
        %parallel_loop3A_332 = vector.broadcast %parallel_loop3A_331 : f32 to vector<16xf32>
        %parallel_loop3A_333 = arith.mulf %parallel_loop3A_330, %parallel_loop3A_332 : vector<16xf32>
        %parallel_loop3A_334 = arith.mulf %parallel_loop3A_312, %parallel_loop3A_312 : vector<16xf32>
        %parallel_loop3A_335 = arith.subf %parallel_loop3A_333, %parallel_loop3A_334 : vector<16xf32>
        %parallel_loop3A_336 = arith.constant 9.99999974E-6 : f32
        %parallel_loop3A_337 = vector.broadcast %parallel_loop3A_336 : f32 to vector<16xf32>
        %parallel_loop3A_338 = arith.addf %parallel_loop3A_335, %parallel_loop3A_337 : vector<16xf32>
        %parallel_loop3A_339 = vector.bitcast %parallel_loop3A_338 : vector<16xf32> to vector<16xi32>
        %parallel_loop3A_340 = arith.constant 1 : i32
        %parallel_loop3A_341 = vector.broadcast %parallel_loop3A_340 : i32 to vector<16xi32>
        %parallel_loop3A_342 = arith.shrsi %parallel_loop3A_339, %parallel_loop3A_341 : vector<16xi32>
        %parallel_loop3A_343 = arith.constant 1597463007 : i32
        %parallel_loop3A_344 = vector.broadcast %parallel_loop3A_343 : i32 to vector<16xi32>
        %parallel_loop3A_345 = arith.subi %parallel_loop3A_344, %parallel_loop3A_342 : vector<16xi32>
        %parallel_loop3A_346 = vector.bitcast %parallel_loop3A_345 : vector<16xi32> to vector<16xf32>
        %parallel_loop3A_347 = arith.constant 5.000000e-01 : f32
        %parallel_loop3A_348 = vector.broadcast %parallel_loop3A_347 : f32 to vector<16xf32>
        %parallel_loop3A_349 = arith.mulf %parallel_loop3A_338, %parallel_loop3A_348 : vector<16xf32>
        %parallel_loop3A_350 = arith.mulf %parallel_loop3A_349, %parallel_loop3A_346 : vector<16xf32>
        %parallel_loop3A_351 = arith.mulf %parallel_loop3A_350, %parallel_loop3A_346 : vector<16xf32>
        %parallel_loop3A_352 = arith.constant 1.500000e+00 : f32
        %parallel_loop3A_353 = vector.broadcast %parallel_loop3A_352 : f32 to vector<16xf32>
        %parallel_loop3A_354 = arith.subf %parallel_loop3A_353, %parallel_loop3A_351 : vector<16xf32>
        %parallel_loop3A_355 = arith.mulf %parallel_loop3A_346, %parallel_loop3A_354 : vector<16xf32>
        %parallel_loop3A_356 = arith.mulf %parallel_loop3A_349, %parallel_loop3A_355 : vector<16xf32>
        %parallel_loop3A_357 = arith.mulf %parallel_loop3A_356, %parallel_loop3A_355 : vector<16xf32>
        %parallel_loop3A_358 = arith.constant 1.500000e+00 : f32
        %parallel_loop3A_359 = vector.broadcast %parallel_loop3A_358 : f32 to vector<16xf32>
        %parallel_loop3A_360 = arith.subf %parallel_loop3A_359, %parallel_loop3A_357 : vector<16xf32>
        %parallel_loop3A_361 = arith.mulf %parallel_loop3A_355, %parallel_loop3A_360 : vector<16xf32>
        %parallel_loop3A_362 = arith.mulf %parallel_loop3A_349, %parallel_loop3A_361 : vector<16xf32>
        %parallel_loop3A_363 = arith.mulf %parallel_loop3A_362, %parallel_loop3A_361 : vector<16xf32>
        %parallel_loop3A_364 = arith.constant 1.500000e+00 : f32
        %parallel_loop3A_365 = vector.broadcast %parallel_loop3A_364 : f32 to vector<16xf32>
        %parallel_loop3A_366 = arith.subf %parallel_loop3A_365, %parallel_loop3A_363 : vector<16xf32>
        %parallel_loop3A_367 = arith.mulf %parallel_loop3A_361, %parallel_loop3A_366 : vector<16xf32>
        %parallel_loop3A_368 = arith.subf %parallel_loop3A_220, %parallel_loop3A_312 : vector<16xf32>
        %parallel_loop3A_369 = arith.mulf %parallel_loop3A_368, %parallel_loop3A_367 : vector<16xf32>
        %parallel_loop3A_370 = arith.mulf %parallel_loop3A_369, %get3A_4 : vector<16xf32>
        %parallel_loop3A_371 = arith.addf %parallel_loop3A_370, %get3A_36 : vector<16xf32>
        %parallel_loop3A_372 = arith.index_cast %parallel_loop3A_196 : i32 to index
        %parallel_loop3A_373 = arith.constant 0 : index
        %parallel_loop3A_374 = tpu.vector_load %arg14[%parallel_loop3A_372, %parallel_loop3A_373] {strides = array<i32>} : memref<128x128xf32, #tpu.memory_space<vmem>>, vector<16xf32>,
        tpu.vector_store %arg14[%parallel_loop3A_372, %parallel_loop3A_373], %parallel_loop3A_371 {strides = array<i32>} : memref<128x128xf32, #tpu.memory_space<vmem>>, vector<16xf32>,
        %parallel_loop3A_375 = arith.subf %parallel_loop3A_227, %parallel_loop3A_312 : vector<16xf32>
        %parallel_loop3A_376 = arith.mulf %parallel_loop3A_375, %parallel_loop3A_367 : vector<16xf32>
        %parallel_loop3A_377 = arith.mulf %parallel_loop3A_376, %get3A_8 : vector<16xf32>
        %parallel_loop3A_378 = arith.addf %parallel_loop3A_377, %get3A_40 : vector<16xf32>
        %parallel_loop3A_379 = arith.index_cast %parallel_loop3A_196 : i32 to index
        %parallel_loop3A_380 = arith.constant 16 : index
        %parallel_loop3A_381 = tpu.vector_load %arg14[%parallel_loop3A_379, %parallel_loop3A_380] {strides = array<i32>} : memref<128x128xf32, #tpu.memory_space<vmem>>, vector<16xf32>,
        tpu.vector_store %arg14[%parallel_loop3A_379, %parallel_loop3A_380], %parallel_loop3A_378 {strides = array<i32>} : memref<128x128xf32, #tpu.memory_space<vmem>>, vector<16xf32>,
        %parallel_loop3A_382 = arith.subf %parallel_loop3A_234, %parallel_loop3A_312 : vector<16xf32>
        %parallel_loop3A_383 = arith.mulf %parallel_loop3A_382, %parallel_loop3A_367 : vector<16xf32>
        %parallel_loop3A_384 = arith.mulf %parallel_loop3A_383, %get3A_12 : vector<16xf32>
        %parallel_loop3A_385 = arith.addf %parallel_loop3A_384, %get3A_44 : vector<16xf32>
        %parallel_loop3A_386 = arith.index_cast %parallel_loop3A_196 : i32 to index
        %parallel_loop3A_387 = arith.constant 32 : index
        %parallel_loop3A_388 = tpu.vector_load %arg14[%parallel_loop3A_386, %parallel_loop3A_387] {strides = array<i32>} : memref<128x128xf32, #tpu.memory_space<vmem>>, vector<16xf32>,
        tpu.vector_store %arg14[%parallel_loop3A_386, %parallel_loop3A_387], %parallel_loop3A_385 {strides = array<i32>} : memref<128x128xf32, #tpu.memory_space<vmem>>, vector<16xf32>,
        %parallel_loop3A_389 = arith.subf %parallel_loop3A_241, %parallel_loop3A_312 : vector<16xf32>
        %parallel_loop3A_390 = arith.mulf %parallel_loop3A_389, %parallel_loop3A_367 : vector<16xf32>
        %parallel_loop3A_391 = arith.mulf %parallel_loop3A_390, %get3A_16 : vector<16xf32>
        %parallel_loop3A_392 = arith.addf %parallel_loop3A_391, %get3A_48 : vector<16xf32>
        %parallel_loop3A_393 = arith.index_cast %parallel_loop3A_196 : i32 to index
        %parallel_loop3A_394 = arith.constant 48 : index
        %parallel_loop3A_395 = tpu.vector_load %arg14[%parallel_loop3A_393, %parallel_loop3A_394] {strides = array<i32>} : memref<128x128xf32, #tpu.memory_space<vmem>>, vector<16xf32>,
        tpu.vector_store %arg14[%parallel_loop3A_393, %parallel_loop3A_394], %parallel_loop3A_392 {strides = array<i32>} : memref<128x128xf32, #tpu.memory_space<vmem>>, vector<16xf32>,
        %parallel_loop3A_396 = arith.subf %parallel_loop3A_248, %parallel_loop3A_312 : vector<16xf32>
        %parallel_loop3A_397 = arith.mulf %parallel_loop3A_396, %parallel_loop3A_367 : vector<16xf32>
        %parallel_loop3A_398 = arith.mulf %parallel_loop3A_397, %get3A_20 : vector<16xf32>
        %parallel_loop3A_399 = arith.addf %parallel_loop3A_398, %get3A_52 : vector<16xf32>
        %parallel_loop3A_400 = arith.index_cast %parallel_loop3A_196 : i32 to index
        %parallel_loop3A_401 = arith.constant 64 : index
        %parallel_loop3A_402 = tpu.vector_load %arg14[%parallel_loop3A_400, %parallel_loop3A_401] {strides = array<i32>} : memref<128x128xf32, #tpu.memory_space<vmem>>, vector<16xf32>,
        tpu.vector_store %arg14[%parallel_loop3A_400, %parallel_loop3A_401], %parallel_loop3A_399 {strides = array<i32>} : memref<128x128xf32, #tpu.memory_space<vmem>>, vector<16xf32>,
        %parallel_loop3A_403 = arith.subf %parallel_loop3A_255, %parallel_loop3A_312 : vector<16xf32>
        %parallel_loop3A_404 = arith.mulf %parallel_loop3A_403, %parallel_loop3A_367 : vector<16xf32>
        %parallel_loop3A_405 = arith.mulf %parallel_loop3A_404, %get3A_24 : vector<16xf32>
        %parallel_loop3A_406 = arith.addf %parallel_loop3A_405, %get3A_56 : vector<16xf32>
        %parallel_loop3A_407 = arith.index_cast %parallel_loop3A_196 : i32 to index
        %parallel_loop3A_408 = arith.constant 80 : index
        %parallel_loop3A_409 = tpu.vector_load %arg14[%parallel_loop3A_407, %parallel_loop3A_408] {strides = array<i32>} : memref<128x128xf32, #tpu.memory_space<vmem>>, vector<16xf32>,
        tpu.vector_store %arg14[%parallel_loop3A_407, %parallel_loop3A_408], %parallel_loop3A_406 {strides = array<i32>} : memref<128x128xf32, #tpu.memory_space<vmem>>, vector<16xf32>,
        %parallel_loop3A_410 = arith.subf %parallel_loop3A_262, %parallel_loop3A_312 : vector<16xf32>
        %parallel_loop3A_411 = arith.mulf %parallel_loop3A_410, %parallel_loop3A_367 : vector<16xf32>
        %parallel_loop3A_412 = arith.mulf %parallel_loop3A_411, %get3A_28 : vector<16xf32>
        %parallel_loop3A_413 = arith.addf %parallel_loop3A_412, %get3A_60 : vector<16xf32>
        %parallel_loop3A_414 = arith.index_cast %parallel_loop3A_196 : i32 to index
        %parallel_loop3A_415 = arith.constant 96 : index
        %parallel_loop3A_416 = tpu.vector_load %arg14[%parallel_loop3A_414, %parallel_loop3A_415] {strides = array<i32>} : memref<128x128xf32, #tpu.memory_space<vmem>>, vector<16xf32>,
        tpu.vector_store %arg14[%parallel_loop3A_414, %parallel_loop3A_415], %parallel_loop3A_413 {strides = array<i32>} : memref<128x128xf32, #tpu.memory_space<vmem>>, vector<16xf32>,
        %parallel_loop3A_417 = arith.subf %parallel_loop3A_269, %parallel_loop3A_312 : vector<16xf32>
        %parallel_loop3A_418 = arith.mulf %parallel_loop3A_417, %parallel_loop3A_367 : vector<16xf32>
        %parallel_loop3A_419 = arith.mulf %parallel_loop3A_418, %get3A_32 : vector<16xf32>
        %parallel_loop3A_420 = arith.addf %parallel_loop3A_419, %get3A_64 : vector<16xf32>
        %parallel_loop3A_421 = arith.index_cast %parallel_loop3A_196 : i32 to index
        %parallel_loop3A_422 = arith.constant 112 : index
        %parallel_loop3A_423 = tpu.vector_load %arg14[%parallel_loop3A_421, %parallel_loop3A_422] {strides = array<i32>} : memref<128x128xf32, #tpu.memory_space<vmem>>, vector<16xf32>,
        tpu.vector_store %arg14[%parallel_loop3A_421, %parallel_loop3A_422], %parallel_loop3A_420 {strides = array<i32>} : memref<128x128xf32, #tpu.memory_space<vmem>>, vector<16xf32>,
      } {sc.loop_unroll_factor = 8 : i64, sc.parallel_access}
      %mul3A_180 = arith.constant 50 : i32
      %mul3A_181 = arith.muli %add3A, %mul3A_180 : i32
      %add3A_182 = arith.addi %mul3A_181, %add3A_147 : i32
      %mul3A_183 = arith.constant 128 : i32
      %mul3A_184 = arith.muli %add3A_182, %mul3A_183 : i32
      %dma_start3A_185 = arith.constant 0 : i32
      %dma_start3A_186 = tpu.memref_slice %arg7[%mul3A_184, %dma_start3A_185] : memref<204800x128xf32, #tpu.memory_space<hbm>> -> memref<128x128xf32, #tpu.memory_space<hbm>>
      %dma_start3A_187 = arith.constant 0 : i32
      %dma_start3A_188 = tpu.memref_slice %arg7[%mul3A_184, %dma_start3A_187] : memref<204800x128xf32, #tpu.memory_space<hbm>> -> memref<128x128xf32, #tpu.memory_space<hbm>>
      tpu.enqueue_dma source(%arg14 : memref<128x128xf32, #tpu.memory_space<vmem>>) target(%dma_start3A_188 : memref<128x128xf32, #tpu.memory_space<hbm>>) target_semaphore(%arg18 : memref<!tpu.dma_semaphore, #tpu.memory_space<semaphore_mem>>)
      %add3A_189 = arith.constant 2 : i32
      %add3A_190 = arith.addi %add3A_147, %add3A_189 : i32
      %lt3A_191 = arith.constant 50 : i32
      %lt3A_192 = arith.cmpi slt, %add3A_190, %lt3A_191 : i32
      %convert_element_type3A_193 = arith.extui %lt3A_192 : i1 to i32
      %cond3A_194 = arith.constant 0 : i32
      %cond3A_195 = arith.cmpi ne, %convert_element_type3A_193, %cond3A_194 : i32
      scf.if %cond3A_195 {
        %add3A_196 = arith.constant 2 : i32
        %add3A_197 = arith.addi %add3A_147, %add3A_196 : i32
        %dma_start3A_198 = arith.constant 0 : i32
        %dma_start3A_199 = tpu.memref_slice %arg8[%add3A_197, %dma_start3A_198] : memref<50x128xi32, #tpu.memory_space<vmem>> -> memref<1x128xi32, #tpu.memory_space<vmem>>
        %dma_start3A_200 = tpu.memref_squeeze %dma_start3A_199 : memref<1x128xi32, #tpu.memory_space<vmem>> -> memref<128xi32, #tpu.memory_space<vmem>>
        %dma_start3A_201 = arith.constant 0 : i32
        %dma_start3A_202 = arith.constant 0 : i32
        %dma_start3A_203 = tpu.memref_slice %arg3[%dma_start3A_201, %dma_start3A_202] : memref<100000x128xf32, #tpu.memory_space<hbm>> -> memref<100000x128xf32, #tpu.memory_space<hbm>>
        tpu.enqueue_indirect_dma source(%dma_start3A_203 : memref<100000x128xf32, #tpu.memory_space<hbm>>) target(%arg12 : memref<128x128xf32, #tpu.memory_space<vmem>>) offsets(%dma_start3A_200 : memref<128xi32, #tpu.memory_space<vmem>>) semaphore(%arg16 : memref<!tpu.dma_semaphore, #tpu.memory_space<semaphore_mem>>)
      } else {
      }
    }
    %scan3A_82 = arith.constant 25 : i32
    %mul3A_83 = arith.constant 50 : i32
    %mul3A_84 = arith.muli %add3A, %mul3A_83 : i32
    %add3A_85 = arith.constant 48 : i32
    %add3A_86 = arith.addi %mul3A_84, %add3A_85 : i32
    %mul3A_87 = arith.constant 128 : i32
    %mul3A_88 = arith.muli %add3A_86, %mul3A_87 : i32
    %dma_wait3A = arith.constant 0 : i32
    %dma_wait3A_89 = tpu.memref_slice %arg7[%mul3A_88, %dma_wait3A] : memref<204800x128xf32, #tpu.memory_space<hbm>> -> memref<128x128xf32, #tpu.memory_space<hbm>>
    %dma_wait3A_90 = arith.constant 0 : i32
    %dma_wait3A_91 = tpu.memref_slice %arg7[%mul3A_88, %dma_wait3A_90] : memref<204800x128xf32, #tpu.memory_space<hbm>> -> memref<128x128xf32, #tpu.memory_space<hbm>>
    tpu.wait_dma2 semaphore(%arg17 : memref<!tpu.dma_semaphore, #tpu.memory_space<semaphore_mem>>) src(%arg13 : memref<128x128xf32, #tpu.memory_space<vmem>>) dst(%dma_wait3A_91 : memref<128x128xf32, #tpu.memory_space<hbm>>)
    %mul3A_92 = arith.constant 50 : i32
    %mul3A_93 = arith.muli %add3A, %mul3A_92 : i32
    %add3A_94 = arith.constant 49 : i32
    %add3A_95 = arith.addi %mul3A_93, %add3A_94 : i32
    %mul3A_96 = arith.constant 128 : i32
    %mul3A_97 = arith.muli %add3A_95, %mul3A_96 : i32
    %dma_wait3A_98 = arith.constant 0 : i32
    %dma_wait3A_99 = tpu.memref_slice %arg7[%mul3A_97, %dma_wait3A_98] : memref<204800x128xf32, #tpu.memory_space<hbm>> -> memref<128x128xf32, #tpu.memory_space<hbm>>
    %dma_wait3A_100 = arith.constant 0 : i32
    %dma_wait3A_101 = tpu.memref_slice %arg7[%mul3A_97, %dma_wait3A_100] : memref<204800x128xf32, #tpu.memory_space<hbm>> -> memref<128x128xf32, #tpu.memory_space<hbm>>
    tpu.wait_dma2 semaphore(%arg18 : memref<!tpu.dma_semaphore, #tpu.memory_space<semaphore_mem>>) src(%arg14 : memref<128x128xf32, #tpu.memory_space<vmem>>) dst(%dma_wait3A_101 : memref<128x128xf32, #tpu.memory_space<hbm>>)
    return
  }
}

</mosaic_0001>

<sc_bundles>
// kernel: _emb_ln.3.cloned.1.call-start
scs
__scs_entry_jumppad:
0x0: {  	(pc) =	sbr.rel $0x88, $3  }
0x1: {  	(tag) =	ssettag $0x0;
	lr =	simm.s32 $0x1  }
0x2: {  	[smem:$0x3F9C] =	sst lr;
	_ =	strace $0xD0000000  }
0x3: {  	_ = 	snop  }
0x4: {  	_ = 	snop  }
0x5: {  	_ = 	snop  }
0x6: {  	_ = 	snop  }
0x7: {  	_ = 	snop  }
__scs_overlays_trampoline_lowered:
0x8: {  	[smem:$0x3FAB] =	sst s0  }
0x9: {  	[smem:$0x3FAC] =	sst s1  }
0xa: {  	[smem:$0x3FAD] =	sst s2  }
0xb: {  	[smem:$0x3FAE] =	sst s3  }
0xc: {  	[smem:$0x3FAF] =	sst s4  }
0xd: {  	[smem:$0x3FB0] =	sst s5  }
0xe: {  	[smem:$0x3FB1] =	sst s6  }
0xf: {  	[smem:$0x3FB2] =	sst s7  }
0x10: {  	[smem:$0x3FB3] =	sst s8  }
0x11: {  	[smem:$0x3FB4] =	sst s9;
	s0 =	simm.s32 @!p0 $0x0  }
0x12: {  	s1 =	sld [smem:$0x3F9A];
	s0 =	simm.s32 @p0 $0x1  }
0x13: {  	[smem:$0x3FB5] =	sst s0;
	s0 =	simm.s32 @!p1 $0x0  }
0x14: {  	s2 =	sld [smem:$0x3F99];
	s0 =	simm.s32 @p1 $0x1  }
0x15: {  	[smem:$0x3FB6] =	sst s0;
	s0 =	simm.s32 @!p2 $0x0  }
0x16: {  	s3 =	sld [smem:$0x3FDB];
	s0 =	simm.s32 @p2 $0x1  }
0x17: {  	s4 =	simm.s32 $0x1BF5;
	[smem:$0x3FB8] =	sst s0  }
0x18: {  	s0 =	sld [smem:$0x3F9B];
	_ =	swait.ge [sflag:s4], $0x0  }
0x19: {  	s7 =	sld [smem:$0x3F9C]  }
0x1a: {  	s8 =	sadd.s32 $0xFFFFE003, lr  }
0x1b: {  	s9 =	sadd.s32 $0xFFFFFEF7, lr;
	s5 =	simm.s32 $0xFFFFFFFF;
	p2 =	slt.u32 s8, $0xFFFFF086  }
0x1c: {  	p1 =	slt.u32 s9, $0xF7A;
	s5 =	simm.s32 @!p2 $0x0  }
0x1d: {  	s5 =	simm.s32 @p1 $0x1;
	p0 =	seq.s32 s7, s2  }
0x1e: {  	s7 =	smul.u32 @!p0 $0xF7A, s2;
	p2 =	seq.s32 @!p0 s5, $0x0  }
0x1f: {  	s9 =	smul.u32 $0xF7A, s1;
	s8 =	simm.s32 @!p0 $0x1BF5;
	p2 =	por !p2, p0  }
0x20: {  	[sflag:s8] =	ssyncset.s32 @!p0 $0xFFFFF086;
	s6 =	sadd.s32 @!p0 s3, s7;
	s7 =	simm.s32 @!p0 $0x108  }
0x21: {  	s3 =	sadd.s32 s3, s9;
	s6 =	sadd.s32 @!p0 $0x88, s6;
	s7 =	simm.s32 @p2 $0x1082  }
0x22: {  	[simem:s7], [sflag:s8] =	dma.local @!p0 [hbm:s6], $0xF7A  }
0x23: {  	s9 =	sor.u32 $0xD0000000, s2;
	s6 =	simm.s32 $0x108;
	_ =	swait.ge @!p0 [sflag:s8], $0x0  }
0x24: {  	s3 =	sadd.s32 $0x88, s3;
	s6 =	simm.s32 @!p1 $0x1082;
	[sflag:s4] =	ssyncset.s32 $0xFFFFF086  }
0x25: {  	[simem:s6], [sflag:s4] =	dma.local [hbm:s3], $0xF7A  }
0x26: {  	[smem:$0x3F9C] =	sst s1;
	(tag) =	ssettag s2;
	_ =	strace s9  }
0x27: {  	s1 =	sld [smem:$0x3FAC]  }
0x28: {  	s2 =	sld [smem:$0x3FAD]  }
0x29: {  	s4 =	sld [smem:$0x3FAF]  }
0x2a: {  	p0 =	seq.s32 s5, $0x0;
	s5 =	sld [smem:$0x3FB0]  }
0x2b: {  	s6 =	sld [smem:$0x3FB1]  }
0x2c: {  	s7 =	sld [smem:$0x3FB2]  }
0x2d: {  	s3 =	simm.s32 $0x108;
	s8 =	sld [smem:$0x3FB3]  }
0x2e: {  	s3 =	simm.s32 @!p0 $0x1082;
	s9 =	sld [smem:$0x3FB4]  }
0x2f: {  	lr =	sadd.s32 s0, s3;
	s0 =	sld [smem:$0x3FAB]  }
0x30: {  	s3 =	sld [smem:$0x3FAE]  }
0x31: {  	[smem:$0x3FB7] =	sst s10  }
0x32: {  	s10 =	sld [smem:$0x3FB5];
	_ =	sdelay $0x3  }
0x33: {  	p0 =	seq.s32 s10, $0x1;
	s10 =	sld [smem:$0x3FB7];
	_ =	sdelay $0x3  }
0x34: {  	[smem:$0x3FB7] =	sst s10  }
0x35: {  	s10 =	sld [smem:$0x3FB6];
	_ =	sdelay $0x3  }
0x36: {  	p1 =	seq.s32 s10, $0x1;
	s10 =	sld [smem:$0x3FB7];
	_ =	sdelay $0x3  }
0x37: {  	[smem:$0x3FB7] =	sst s10  }
0x38: {  	s10 =	sld [smem:$0x3FB8]  }
0x39: {  	_ = 	snop;
	(pc) =	sbr.ind lr, $3  }
0x3a: {  	_ = 	snop  }
0x3b: {  	_ = 	snop  }
0x3c: {  	p2 =	seq.s32 s10, $0x1;
	s10 =	sld [smem:$0x3FB7]  }
0x3d: {  	_ =	shalt  }
0x3e: {  	_ =	shalt  }
0x3f: {  	_ =	shalt  }
0x40: {  	_ =	shalt  }
0x41: {  	_ =	shalt  }
0x42: {  	_ =	shalt  }
0x43: {  	_ =	shalt  }
0x44: {  	_ =	shalt  }
0x45: {  	_ =	shalt  }
0x46: {  	_ =	shalt  }
0x47: {  	_ =	shalt  }
0x48: {  	_ =	shalt  }
0x49: {  	_ =	shalt  }
0x4a: {  	_ =	shalt  }
0x4b: {  	_ =	shalt  }
0x4c: {  	_ =	shalt  }
0x4d: {  	_ =	shalt  }
0x4e: {  	_ =	shalt  }
0x4f: {  	_ =	shalt  }
0x50: {  	_ =	shalt  }
0x51: {  	_ =	shalt  }
0x52: {  	_ =	shalt  }
0x53: {  	_ =	shalt  }
0x54: {  	_ =	shalt  }
0x55: {  	_ =	shalt  }
0x56: {  	_ =	shalt  }
0x57: {  	_ =	shalt  }
0x58: {  	_ =	shalt  }
0x59: {  	_ =	shalt  }
0x5a: {  	_ =	shalt  }
0x5b: {  	_ =	shalt  }
0x5c: {  	_ =	shalt  }
0x5d: {  	_ =	shalt  }
0x5e: {  	_ =	shalt  }
0x5f: {  	_ =	shalt  }
0x60: {  	_ =	shalt  }
0x61: {  	_ =	shalt  }
0x62: {  	_ =	shalt  }
0x63: {  	_ =	shalt  }
0x64: {  	_ =	shalt  }
0x65: {  	_ =	shalt  }
0x66: {  	_ =	shalt  }
0x67: {  	_ =	shalt  }
0x68: {  	_ =	shalt  }
0x69: {  	_ =	shalt  }
0x6a: {  	_ =	shalt  }
0x6b: {  	_ =	shalt  }
0x6c: {  	_ =	shalt  }
0x6d: {  	_ =	shalt  }
0x6e: {  	_ =	shalt  }
0x6f: {  	_ =	shalt  }
0x70: {  	_ =	shalt  }
0x71: {  	_ =	shalt  }
0x72: {  	_ =	shalt  }
0x73: {  	_ =	shalt  }
0x74: {  	_ =	shalt  }
0x75: {  	_ =	shalt  }
0x76: {  	_ =	shalt  }
0x77: {  	_ =	shalt  }
0x78: {  	_ =	shalt  }
0x79: {  	_ =	shalt  }
0x7a: {  	_ =	shalt  }
0x7b: {  	_ =	shalt  }
0x7c: {  	_ =	shalt  }
0x7d: {  	_ =	shalt  }
0x7e: {  	_ =	shalt  }
0x7f: {  	_ =	shalt  }
0x80: {  	_ =	shalt  }
0x81: {  	_ =	shalt  }
0x82: {  	_ =	shalt  }
0x83: {  	_ =	shalt  }
0x84: {  	_ =	shalt  }
0x85: {  	_ =	shalt  }
0x86: {  	_ =	shalt  }
0x87: {  	_ =	shalt  }
.Lfunc_end0:
.L_simem_size_0:
called_computation_lowered:
.L_overlay_start_0:
0x88: {  	s2 =	sld [smem:$0x3FD9]  }
0x89: {  	s3 =	sld [smem:$0x3FFE];
	_ =	sdelay $0x1  }
0x8a: {  	s1 =	srdreg.scid  }
0x8b: {  	s0 =	sand.u32 $0x1, s1  }
0x8c: {  	s17 =	sshll.u32 s0, $0xA;
	s2 =	sadd.s32 s3, s2  }
0x8d: {  	s2 =	sadd.s32 s2, s17  }
0x8e: {  	[smem:$0x3FC3] =	sst s2  }
0x8f: {  	_ = 	snop  }
0x90: {  	s2 =	sld [smem:$0x3FC8]  }
0x91: {  	s18 =	sld [smem:$0x3FC7]  }
0x92: {  	s4 =	sld [smem:$0x3FC6]  }
0x93: {  	s5 =	sld [smem:$0x3FC5]  }
0x94: {  	s6 =	sld [smem:$0x3FD0];
	(tm) =	ssettm $0x1  }
0x95: {  	s7 =	sld [smem:$0x3FFB];
	_ =	sdelay $0x3  }
0x96: {  	_ =	strace s7  }
0x97: {  	s7 =	sld [smem:$0x3FFC];
	_ =	sdelay $0x3  }
0x98: {  	_ =	strace s7  }
0x99: {  	s7 =	sld [smem:$0x3FFD];
	_ =	sdelay $0x3  }
0x9a: {  	_ =	strace s7  }
0x9b: {  	_ =	strace $0x8FFFFFFF  }
0x9c: {  	s19 =	sld [smem:$0x3FDB];
	_ =	sdelay $0x1  }
0x9d: {  	s8 =	simm.s32 $_scs_section_size  }
0x9e: {  	s9 =	simm.s32 $_size__tile_overlayer_lowered;
	s10 =	simm.s32 $_tile_overlayer_lowered  }
0x9f: {  	s22 =	simm.s32 $0x1BFF;
	s21 =	sshll.u32 s10, $0x1;
	s7 =	sadd.s32 s8, s19  }
0xa0: {  	s11 =	simm.s32 $0x0;
	s20 =	sshll.u32 s9, $0x1;
	s9 =	sadd.s32 s21, s7  }
0xa1: {  	[timem:s11], [sflag:s22] =	dma.local [hbm:s9], s20  }
0xa2: {  	_ =	swait.ge [sflag:s22], s20  }
0xa3: {  	s8 =	ssub.s32 $0x0, s20;
	[sflag:s22] =	ssyncset.done $0x0  }
0xa4: {  	[sflag:s22] =	ssyncadd.s32 s8;
	_ =	sdelay $0x1  }
0xa5: {  	s23 =	simm.s32 $0x1B8B  }
0xa6: {  	_ =	swait.ge [sflag:s23], $0x1  }
0xa7: {  	[sflag:s23] =	ssyncset.done $0x0  }
0xa8: {  	s25 =	simm.s32 $0x1B8E;
	s24 =	sld [smem:$0x3FFE];
	[sflag:s23] =	ssyncadd.s32 $0xFFFFFFFF  }
0xa9: {  	s26 =	simm.s32 $execute0_lowered;
	[smem:$0x3FD2] =	sst s25  }
0xaa: {  	s9 =	sshll.u32 s26, $0x1;
	_ =	strace $0x80000046;
	[dreg:$0x1] =	wrdreg $0xFFFFFFFF  }
0xab: {  	s28 =	simm.s32 $_size_execute0_lowered;
	s7 =	sadd.s32 s7, s9;
	[dreg:$0x0] =	wrdreg $0x0  }
0xac: {  	s9 =	sshll.u32 s28, $0x1;
	[dreg:$0x2] =	wrdreg s7  }
0xad: {  	[dreg:$0x3] =	wrdreg s9  }
0xae: {  	[dreg:$0x4] =	wrdreg $0xC0  }
0xaf: {  	_ =	task [dreg:s11], $0x5FFFF  }
0xb0: {  	[dreg:$0x1] =	wrdreg $0xFFFFFFFF  }
0xb1: {  	[dreg:$0x0] =	wrdreg $0x60  }
0xb2: {  	[dreg:$0x2] =	wrdreg s24  }
0xb3: {  	[dreg:$0x3] =	wrdreg s2  }
0xb4: {  	[dreg:$0x4] =	wrdreg s18  }
0xb5: {  	[dreg:$0x5] =	wrdreg s4  }
0xb6: {  	[dreg:$0x6] =	wrdreg s5  }
0xb7: {  	[dreg:$0x7] =	wrdreg s6  }
0xb8: {  	[dreg:$0x8] =	wrdreg $0x9  }
0xb9: {  	_ =	task.clear_ibuf [dreg:s11], $0x9FFFF;
	_ =	strace $0x90000046  }
0xba: {  	s29 =	simm.s32 $0x9;
	_ =	strace $0x80000048  }
0xbb: {  	_ =	swait.ge [sflag:s29], $0x1  }
0xbc: {  	[sflag:s29] =	ssyncadd.s32 $0xFFFFFFFF  }
0xbd: {  	_ =	strace $0x90000048  }
0xbe: {  	_ =	sfence  }
0xbf: {  	s30 =	sld [smem:$0x0];
	_ =	sdelay $0x2  }
0xc0: {  	s31 =	sshll.u32 s1, $0xD;
	s1 =	sshrl.u32 s1, $0x2  }
0xc1: {  	s3 =	sand.u32 $0x4000, s31;
	s1 =	sadd.s32 s1, s30  }
0xc2: {  	s0 =	sor.u32 s3, s0;
	s1 =	sshll.u32 s1, $0x11  }
0xc3: {  	s0 =	sor.u32 s1, s0  }
0xc4: {  	s0 =	sadd.s32 $0x8F2B, s0  }
0xc5: {  	[sflag:s0] =	ssyncadd.remote.s32 $0x1  }
0xc6: {  	_ =	sfence.sel $0xFFFF  }
0xc7: {  	[dreg:$0x0] =	wrdreg $0xFFFFFFFF;
	(pc) =	sbr.abs _section_cstart, $3  }
0xc8: {  	[dreg:$0x1] =	wrdreg $0xFFFFFFFF  }
0xc9: {  	_ =	task.clear_ibuf [dreg:s11], $0x2FFFF;
	_ =	strace $0x9FFFFFFF  }
0xca: {  	(tm) =	ssettm $0x7FFFFFFF  }
0xcb: {  	_ =	shalt  }
tec
execute0_lowered:
.L_overlay_start_1:
0x0: {  	(tag) =	ssettag $0x1  }
0x1: {  	s0 =	rddreg [dreg:$0x0]  }
0x2: {  	s1 =	rddreg [dreg:$0x1];
	s2 =	srdreg.scid  }
0x3: {  	s3 =	stileid.u32;
	s5 =	rddreg [dreg:$0x4]  }
0x4: {  	s6 =	rddreg [dreg:$0x5];
	s7 =	simm.s32 $0x0;
	s11 =	simm.s32 $0x1C00  }
0x5: {  	s12 =	simm.s32 $0x5;
	s13 =	simm.s32 $0x8000;
	s14 =	simm.s32 $0x8080  }
0x6: {  	s15 =	simm.s32 $0x8100;
	s16 =	simm.s32 $0xC100;
	s17 =	simm.s32 $0x1  }
0x7: {  	s18 =	simm.s32 $0x10100;
	s19 =	simm.s32 $0x2;
	s20 =	simm.s32 $0x14100  }
0x8: {  	s21 =	simm.s32 $0x3;
	s2 =	sand.u32 $0x1, s2;
	s4 =	sshll.u32 s3, $0x1  }
.Ltmp0:
0x9: {  	s22 =	simm.s32 $0x4;
	s4 =	sor.u32 s2, s4;
	(pc) =	sbr.rel .LBB2_1-.Ltmp0, $4  }
0xa: {  	v0 =	vlaneseq.u32;
	s23 =	simm.s32 $0x80;
	s2 =	ssub.s32 $0x2, s2;
	s8 =	smul.u32 $0x380, s4  }
0xb: {  	s24 =	simm.s32 $0x0;
	[smem:$0x7FF] =	sst s7;
	v0 =	vmul.u32 $0xFFFFFFFF, v0;
	s31 =	sshrl.u32 s2, $0x1  }
0xc: {  	_ =	strace $0x80000047;
	s2 =	ssub.s32 s2, s31;
	s0 =	sadd.s32 s8, s0  }
0xd: {  	s9 =	smul.u32 $0x32, s4;
	v60 =	vadd.s32 $0xF, v0;
	s10 =	smax.u32 s2, $0x1;
	s8 =	sadd.s32 $0x400, s0  }
.LBB2_8:
0xe: {  	s24 =	sadd.s32 $0x1, s24  }
0xf: {  	_ =	swait.ge [sflag:s21], $0x4000;
	p0 =	sne.s32 s24, s10  }
.Ltmp1:
0x10: {  	[sflag:s21] =	ssyncset.done $0x0;
	(pc) =	sbr.rel @!p0 .LBB2_9-.Ltmp1, $4  }
0x11: {  	[sflag:s21] =	ssyncadd.s32 $0xFFFFC000  }
0x12: {  	_ =	swait.ge [sflag:s22], $0x4000  }
0x13: {  	[sflag:s22] =	ssyncset.done $0x0  }
0x14: {  	[sflag:s22] =	ssyncadd.s32 $0xFFFFC000  }
.LBB2_1:
0x15: {  	s0 =	rddreg [dreg:$0x2]  }
0x16: {  	[tilespmem:s11], [sflag:$0x5] =	stream.linear.gather [hbm4b:s0+s7], $0x6400, $0x38;
	[tilespmem:$0x18100] =	vst v63  }
0x17: {  	_ =	swait.ge [sflag:s12], $0x6400  }
0x18: {  	[sflag:s12] =	ssyncset.done $0x0  }
0x19: {  	[sflag:s12] =	ssyncadd.s32 $0xFFFF9C00  }
0x1a: {  	s31 =	rddreg [dreg:$0x3]  }
0x1b: {  	[tilespmem:s13], [sflag:$0x5] =	stream.linear.gather [hbm4b:s31+s7], $0x80, $0x38;
	[tilespmem:$0x18100] =	vst v63  }
0x1c: {  	_ =	swait.ge [sflag:s12], $0x80  }
0x1d: {  	[sflag:s12] =	ssyncset.done $0x0  }
0x1e: {  	[sflag:s12] =	ssyncadd.s32 $0xFFFFFF80  }
0x1f: {  	[tilespmem:s14], [sflag:$0x5] =	stream.linear.gather [hbm4b:s5+s7], $0x80, $0x38;
	[tilespmem:$0x18100] =	vst v63  }
0x20: {  	_ =	swait.ge [sflag:s12], $0x80  }
0x21: {  	[sflag:s12] =	ssyncset.done $0x0  }
0x22: {  	[sflag:s12] =	ssyncadd.s32 $0xFFFFFF80  }
0x23: {  	[tilespmem:s7], [sflag:$0x5] =	stream.linear.gather [hbm4b:s8+s7], $0x1900, $0x38;
	[tilespmem:$0x18100] =	vst v63  }
0x24: {  	_ =	swait.ge [sflag:s12], $0x1900  }
0x25: {  	[sflag:s12] =	ssyncset.done $0x0  }
0x26: {  	[sflag:s12] =	ssyncadd.s32 $0xFFFFE700  }
0x27: {  	v61 =	vld [tilespmem:$0x8000]  }
0x28: {  	v63 =	vld [tilespmem:$0x8010]  }
0x29: {  	v58 =	vld [tilespmem:$0x8020]  }
0x2a: {  	v59 =	vld [tilespmem:$0x8030]  }
0x2b: {  	v62 =	vld [tilespmem:$0x8040]  }
0x2c: {  	v6 =	vld [tilespmem:$0x8050]  }
0x2d: {  	v5 =	vld [tilespmem:$0x8060]  }
0x2e: {  	v7 =	vld [tilespmem:$0x8070]  }
0x2f: {  	v10 =	vld [tilespmem:$0x8080]  }
0x30: {  	v11 =	vld [tilespmem:$0x8090]  }
0x31: {  	v8 =	vld [tilespmem:$0x80A0]  }
0x32: {  	v9 =	vld [tilespmem:$0x80B0]  }
0x33: {  	v12 =	vld [tilespmem:$0x80C0]  }
0x34: {  	v13 =	vld [tilespmem:$0x80D0]  }
0x35: {  	v3 =	vld [tilespmem:$0x80E0]  }
0x36: {  	v1 =	vld [tilespmem:$0x80F0];
	[tilespmem:s15], [sflag:$0x1] =	stream.indirect.gather [hbm4b:s1+s23], $0x80, s7, s23, $0xb8  }
0x37: {  	_ = 	snop  }
0x38: {  	[tilespmem:s16], [sflag:$0x2] =	stream.indirect.gather [hbm4b:s1+s23], $0x80, s23, s23, $0xb8;
	[tilespmem:$0x18100] =	vst v63  }
0x39: {  	[tilespmem:$0x1FF00] =	vst v61  }
0x3a: {  	[tilespmem:$0x1FF10] =	vst v63  }
0x3b: {  	[tilespmem:$0x1FF20] =	vst v58  }
0x3c: {  	[tilespmem:$0x1FF30] =	vst v59  }
0x3d: {  	[tilespmem:$0x1FF40] =	vst v62  }
0x3e: {  	[tilespmem:$0x1FF50] =	vst v6  }
0x3f: {  	[tilespmem:$0x1FF60] =	vst v5  }
0x40: {  	[tilespmem:$0x1FF70] =	vst v7  }
0x41: {  	[tilespmem:$0x1FF80] =	vst v10  }
0x42: {  	[tilespmem:$0x1FF90] =	vst v11  }
0x43: {  	[tilespmem:$0x1FFA0] =	vst v8  }
0x44: {  	[tilespmem:$0x1FFB0] =	vst v9  }
0x45: {  	[tilespmem:$0x1FFC0] =	vst v12  }
0x46: {  	[tilespmem:$0x1FFD0] =	vst v13  }
0x47: {  	[tilespmem:$0x1FFE0] =	vst v3  }
0x48: {  	s25 =	simm.s32 $0x80;
	s26 =	simm.s32 $0x0;
	s28 =	simm.s32 $0x0;
	[tilespmem:$0x1FFF0] =	vst v1  }
.LBB2_2:
0x49: {  	s0 =	smulhi.u32 $0x51EB851F, s25  }
0x4a: {  	s2 =	smulhi.u32 $0x51EB851F, s26  }
0x4b: {  	s0 =	sshrl.u32 s0, $0x6  }
0x4c: {  	s2 =	sshrl.u32 s2, $0x6;
	s0 =	smul.u32 $0xC8, s0  }
0x4d: {  	s2 =	smul.u32 $0xC8, s2  }
0x4e: {  	s0 =	ssub.s32 s26, s0  }
0x4f: {  	s4 =	ssub.s32 s26, s2;
	[dreg:$0x8] =	wrdreg s0  }
0x50: {  	[dreg:$0x7] =	wrdreg s4  }
0x51: {  	_ =	swait.ge [sflag:s17], $0x4000  }
0x52: {  	p0 =	seq.s32 s28, $0x0;
	[sflag:s17] =	ssyncset.done $0x0  }
0x53: {  	s0 =	simm.s32 @!p0 $0x3;
	[sflag:s17] =	ssyncadd.s32 $0xFFFFC000  }
0x54: {  	_ =	swait.ge @!p0 [sflag:s0], $0x4000  }
0x55: {  	s29 =	sshll.u32 s28, $0x1;
	s30 =	simm.s32 $0xFFFFFFF8;
	[sflag:s0] =	ssyncset.done @!p0 $0x0  }
0x56: {  	s31 =	simm.s32 $0x10300;
	s4 =	simm.s32 $0x8300;
	[sflag:s0] =	ssyncadd.s32 @!p0 $0xFFFFC000  }
.LBB2_3:
0x57: {  	v1 =	vld [tilespmem:s4+$0xFFFFFE00]  }
0x58: {  	v3 =	vld [tilespmem:s4+$0xFFFFFE10]  }
0x59: {  	v5 =	vld [tilespmem:s4+$0xFFFFFE20]  }
0x5a: {  	v7 =	vld [tilespmem:s4+$0xFFFFFE30]  }
0x5b: {  	v9 =	vld [tilespmem:s4+$0xFFFFFE40]  }
0x5c: {  	v11 =	vld [tilespmem:s4+$0xFFFFFE50]  }
0x5d: {  	s0 =	rddreg [dreg:$0x7];
	v15 =	vld [tilespmem:s4+$0xFFFFFE60]  }
0x5e: {  	v16 =	vld [tilespmem:s4+$0xFFFFFE70];
	s0 =	sadd.s32 s30, s0  }
0x5f: {  	v17 =	vld [tilespmem:s4+$0xFFFFFE80];
	s2 =	sadd.s32 $0x8, s0  }
0x60: {  	v19 =	vld [tilespmem:s4+$0xFFFFFE90];
	s3 =	sshll.u32 s2, $0x9  }
0x61: {  	v21 =	vld [tilespmem:s4+$0xFFFFFEA0];
	p1 =	slt.u32 s2, $0xC8;
	s2 =	sadd.s32 $0xFFFE7000, s3  }
0x62: {  	v39 =	vld [tilespmem:s4+$0xFFFFFEB0];
	s2 =	smov.u32 @p1 s3  }
0x63: {  	v41 =	vld [tilespmem:s4+$0xFFFFFEC0];
	s2 =	sshra.s32 s2, $0x2  }
0x64: {  	v2 =	vld [tilespmem:s2+$0x1C00]  }
0x65: {  	v4 =	vld [tilespmem:s2+$0x1C10]  }
0x66: {  	v6 =	vld [tilespmem:s2+$0x1C20]  }
0x67: {  	v8 =	vld [tilespmem:s2+$0x1C30]  }
0x68: {  	v10 =	vld [tilespmem:s2+$0x1C40]  }
0x69: {  	v12 =	vld [tilespmem:s2+$0x1C50]  }
0x6a: {  	s3 =	sadd.s32 $0x9, s0;
	v13 =	vld [tilespmem:s2+$0x1C60]  }
0x6b: {  	v14 =	vld [tilespmem:s2+$0x1C70];
	s2 =	sshll.u32 s3, $0x9  }
0x6c: {  	v50 =	vld [tilespmem:s4+$0xFFFFFED0];
	p1 =	slt.u32 s3, $0xC8;
	s3 =	sadd.s32 $0xFFFE7000, s2  }
0x6d: {  	v55 =	vld [tilespmem:s4+$0xFFFFFEE0];
	s3 =	smov.u32 @p1 s2  }
0x6e: {  	v30 =	vld [tilespmem:s4+$0xFFFFFEF0];
	s2 =	sshra.s32 s3, $0x2  }
0x6f: {  	v18 =	vld [tilespmem:s2+$0x1C00]  }
0x70: {  	v20 =	vld [tilespmem:s2+$0x1C10]  }
0x71: {  	v22 =	vld [tilespmem:s2+$0x1C20]  }
0x72: {  	v23 =	vld [tilespmem:s2+$0x1C30]  }
0x73: {  	v47 =	vld [tilespmem:s2+$0x1C40];
	v28 =	vadd.f32 v2, v1;
	v3 =	vadd.f32 v4, v3  }
0x74: {  	v51 =	vld [tilespmem:s2+$0x1C50];
	v26 =	vadd.f32 v6, v5;
	v27 =	vadd.f32 v8, v7  }
0x75: {  	s3 =	sadd.s32 $0xA, s0;
	v24 =	vld [tilespmem:s2+$0x1C60];
	v1 =	vmul.f32 v28, v28;
	v40 =	vmul.f32 v3, v3;
	v48 =	vadd.f32 v3, v28  }
0x76: {  	v53 =	vld [tilespmem:s2+$0x1C70];
	s2 =	sshll.u32 s3, $0x9;
	v29 =	vadd.f32 v10, v9;
	v25 =	vadd.f32 v13, v15  }
0x77: {  	v32 =	vld [tilespmem:s4+$0xFFFFFF00];
	p1 =	slt.u32 s3, $0xC8;
	s3 =	sadd.s32 $0xFFFE7000, s2;
	v1 =	vadd.f32 v40, v1;
	v5 =	vadd.f32 v26, v48  }
0x78: {  	v57 =	vld [tilespmem:s4+$0xFFFFFF10];
	s3 =	smov.u32 @p1 s2;
	v58 =	vadd.f32 v18, v17;
	v0 =	vadd.f32 v20, v19  }
0x79: {  	v62 =	vld [tilespmem:s4+$0xFFFFFF20];
	s2 =	sshra.s32 s3, $0x2;
	v22 =	vadd.f32 v22, v21;
	v36 =	vadd.f32 v23, v39  }
0x7a: {  	v49 =	vmul.f32 v26, v26;
	v56 =	vld [tilespmem:s2+$0x1C00];
	v35 =	vadd.f32 v47, v41;
	v33 =	vadd.f32 v51, v50  }
0x7b: {  	v59 =	vld [tilespmem:s2+$0x1C10];
	v34 =	vadd.f32 v24, v55;
	v30 =	vadd.f32 v53, v30  }
0x7c: {  	v52 =	vmul.f32 v27, v27;
	v63 =	vld [tilespmem:s2+$0x1C20];
	v2 =	vadd.f32 v49, v1;
	v1 =	vadd.f32 v12, v11  }
0x7d: {  	v45 =	vld [tilespmem:s2+$0x1C30];
	v5 =	vadd.f32 v27, v5;
	v18 =	vmul.f32 v58, v58;
	v20 =	vmul.f32 v0, v0  }
0x7e: {  	v47 =	vld [tilespmem:s4+$0xFFFFFF40];
	v19 =	vadd.f32 v0, v58;
	v2 =	vadd.f32 v52, v2  }
0x7f: {  	v39 =	vld [tilespmem:s2+$0x1C40];
	v5 =	vadd.f32 v29, v5;
	v42 =	vadd.f32 v20, v18  }
0x80: {  	v54 =	vmul.f32 v29, v29;
	[tilespmem:$0x1FD10] =	vst v0;
	v0 =	vld [tilespmem:s4+$0xFFFFFF30];
	v43 =	vadd.f32 v22, v19;
	v51 =	vadd.f32 v56, v32  }
0x81: {  	v8 =	vld [tilespmem:s4+$0xFFFFFFD0];
	v44 =	vmul.f32 v22, v22;
	v52 =	vadd.f32 v59, v57;
	v57 =	vadd.f32 v63, v62  }
0x82: {  	v40 =	vld [tilespmem:s4+$0xFFFFFF50];
	v10 =	vadd.f32 v54, v2;
	v2 =	vadd.f32 v14, v16  }
0x83: {  	v50 =	vld [tilespmem:s2+$0x1C50];
	v38 =	vmul.f32 v36, v36;
	v5 =	vadd.f32 v1, v5;
	v37 =	vadd.f32 v44, v42  }
0x84: {  	v53 =	vld [tilespmem:s4+$0xFFFFFF60];
	v31 =	vmul.f32 v1, v1;
	v18 =	vadd.f32 v36, v43;
	v56 =	vadd.f32 v52, v51  }
0x85: {  	v55 =	vld [tilespmem:s4+$0xFFFFFF70];
	v59 =	vmul.f32 v51, v51;
	v44 =	vadd.f32 v39, v47;
	v62 =	vadd.f32 v45, v0  }
0x86: {  	v42 =	vld [tilespmem:s2+$0x1C70];
	v15 =	vmul.f32 v52, v52;
	v10 =	vadd.f32 v31, v10;
	v5 =	vadd.f32 v25, v5  }
0x87: {  	v61 =	vmul.f32 v25, v25;
	s3 =	sadd.s32 $0xB, s0;
	v47 =	vld [tilespmem:s4+$0xFFFFFFA0];
	v7 =	vadd.f32 v38, v37;
	v48 =	vadd.f32 v35, v18  }
0x88: {  	v49 =	vmul.f32 v35, v35;
	v31 =	vld [tilespmem:s2+$0x1C60];
	s2 =	sshll.u32 s3, $0x9;
	v11 =	vadd.f32 v15, v59;
	v20 =	vadd.f32 v57, v56  }
0x89: {  	p1 =	slt.u32 s3, $0xC8;
	[tilespmem:$0x1FD00] =	vst v58;
	v58 =	vmul.f32 v57, v57;
	v59 =	vld [tilespmem:s4+$0xFFFFFF90];
	s3 =	sadd.s32 $0xFFFE7000, s2;
	v10 =	vadd.f32 v61, v10;
	v5 =	vadd.f32 v2, v5  }
0x8a: {  	v41 =	vmul.f32 v33, v33;
	v7 =	vadd.f32 v49, v7;
	v9 =	vadd.f32 v33, v48;
	s3 =	smov.u32 @p1 s2;
	v61 =	vld [tilespmem:s4+$0xFFFFFF80]  }
0x8b: {  	v46 =	vmul.f32 v2, v2;
	v15 =	vadd.f32 v58, v11;
	v48 =	vadd.f32 v50, v40;
	v40 =	vld [tilespmem:s4+$0xFFFFFFB0];
	s2 =	sshra.s32 s3, $0x2  }
0x8c: {  	v54 =	vmul.f32 v34, v34;
	v37 =	vadd.f32 v62, v20;
	v7 =	vadd.f32 v41, v7;
	v63 =	vld [tilespmem:s2+$0x1C00]  }
0x8d: {  	v4 =	vadd.f32 v46, v10;
	v9 =	vadd.f32 v34, v9;
	v45 =	vld [tilespmem:s2+$0x1C10];
	v46 =	vmul.f32 v62, v62  }
0x8e: {  	[tilespmem:$0x1FD30] =	vst v51;
	v43 =	vmul.f32 v30, v30;
	v51 =	vld [tilespmem:s2+$0x1C20];
	v32 =	vadd.f32 v31, v53;
	v10 =	vadd.f32 v54, v7  }
0x8f: {  	[tilespmem:$0x1FD20] =	vst v22;
	v39 =	vmul.f32 v44, v44;
	v41 =	vld [tilespmem:s2+$0x1C30];
	v7 =	vadd.f32 v30, v9;
	v38 =	vadd.f32 v46, v15  }
0x90: {  	[tilespmem:$0x1FD50] =	vst v62;
	v58 =	vmul.f32 v48, v48;
	v62 =	vld [tilespmem:s2+$0x1C50];
	v54 =	vadd.f32 v42, v55;
	v9 =	vadd.f32 v44, v37  }
0x91: {  	[tilespmem:$0x1FD40] =	vst v52;
	v56 =	vld [tilespmem:s2+$0x1C40];
	v42 =	vperm.xlane v5, v60;
	v11 =	vadd.f32 v43, v10;
	v10 =	vadd.f32 v39, v38  }
0x92: {  	[tilespmem:$0x1FD60] =	vst v44;
	v55 =	vperm.xlane v4, v60;
	v43 =	vld [tilespmem:s4+$0xFFFFFFC0];
	v63 =	vadd.f32 v63, v61;
	v59 =	vadd.f32 v45, v59  }
0x93: {  	(xrf2) =	vadd.scan.msk.f32 $0xffff, v5;
	v53 =	vmul.f32 v32, v32;
	v9 =	vadd.f32 v48, v9;
	v61 =	vadd.f32 v51, v47  }
0x94: {  	(xrf2) =	vadd.scan.msk.f32 $0xffff, v42;
	v44 =	vmul.f32 v63, v63;
	v45 =	vadd.f32 v59, v63;
	v46 =	vmul.f32 v59, v59  }
0x95: {  	v50 =	vld [tilespmem:s4+$0xFFFFFFE0];
	v39 =	vmul.f32 v54, v54;
	v49 =	vadd.f32 v41, v40;
	(xrf2) =	vadd.scan.msk.f32 $0xffff, v4;
	v62 =	vadd.f32 v62, v8  }
0x96: {  	v51 =	vld [tilespmem:s2+$0x1C60];
	(xrf2) =	vadd.scan.msk.f32 $0xffff, v55;
	v52 =	vmul.f32 v61, v61;
	v23 =	vadd.f32 v46, v44;
	v22 =	vadd.f32 v61, v45  }
0x97: {  	v47 =	vperm.xlane v7, v60;
	v10 =	vadd.f32 v58, v10;
	v58 =	vld [tilespmem:s2+$0x1C70];
	v55 =	vadd.f32 v56, v43  }
0x98: {  	[tilespmem:$0x1FD70] =	vst v61;
	v38 =	vmul.f32 v49, v49;
	v56 =	vld [tilespmem:s4+$0xFFFFFFF0];
	v23 =	vadd.f32 v52, v23;
	v61 =	vadd.f32 v49, v22  }
0x99: {  	v9 =	vadd.f32 v32, v9;
	v42 =	vperm.xlane v11, v60;
	v10 =	vadd.f32 v53, v10  }
0x9a: {  	v0 =	vadd.f32 v38, v23;
	v37 =	vadd.f32 v55, v61;
	v38 =	vmul.f32 v55, v55  }
0x9b: {  	[tilespmem:$0x1FD80] =	vst v49;
	(xrf2) =	vadd.scan.msk.f32 $0xffff, v7;
	v31 =	vadd.f32 v54, v9;
	v40 =	vadd.f32 v51, v50  }
0x9c: {  	(xrf2) =	vadd.scan.msk.f32 $0xffff, v47;
	v43 =	vmul.f32 v62, v62;
	v8 =	vadd.f32 v38, v0;
	v41 =	vadd.f32 v62, v37  }
0x9d: {  	s2 =	sadd.s32 $0xC, s0;
	v16 =	vadd.f32 v39, v10;
	v45 =	vperm.xlane v31, v60;
	v44, _, _ =	vpop (xrf2);
	(xrf2) =	vadd.scan.msk.f32 $0xffff, v11;
	v46 =	vadd.f32 v58, v56  }
0x9e: {  	s3 =	sshll.u32 s2, $0x9;
	v50 =	vmul.f32 v40, v40;
	v47, _, _ =	vpop (xrf2);
	(xrf2) =	vadd.scan.msk.f32 $0xffff, v42;
	v8 =	vadd.f32 v43, v8;
	v49 =	vadd.f32 v40, v41  }
0x9f: {  	p1 =	slt.u32 s2, $0xC8;
	s2 =	sadd.s32 $0xFFFE7000, s3;
	[tilespmem:$0x1FD90] =	vst v55;
	v51 =	vperm.xlane v16, v60;
	v6 =	vperm.xlane v47, v60;
	(xrf2) =	vadd.scan.msk.f32 $0xffff, v31;
	v52, _, _ =	vpop (xrf2)  }
0xa0: {  	v21 =	vld [tilespmem:s4+$0x40];
	s2 =	smov.u32 @p1 s3;
	(xrf2) =	vadd.scan.msk.f32 $0xffff, v45;
	v53 =	vmul.f32 v46, v46;
	v55, _, _ =	vpop (xrf2);
	v8 =	vadd.f32 v50, v8;
	v12 =	vadd.f32 v46, v49  }
0xa1: {  	v14 =	vld [tilespmem:s4+$0x0];
	s2 =	sshra.s32 s2, $0x2;
	v6 =	vadd.f32 v44, v6;
	(xrf2) =	vadd.scan.msk.f32 $0xffff, v16;
	v10 =	vperm.xlane v55, v60  }
0xa2: {  	v22 =	vld [tilespmem:s2+$0x1C40];
	(xrf2) =	vadd.scan.msk.f32 $0xffff, v51;
	v13 =	vadd.f32 v53, v8;
	v56 =	vperm.xlane v12, v60  }
0xa3: {  	v23 =	vld [tilespmem:s2+$0x1C20];
	v5 =	vsub.f32 v6, v5;
	v58 =	vadd.f32 v52, v10;
	(xrf2) =	vadd.scan.msk.f32 $0xffff, v12  }
0xa4: {  	v42 =	vld [tilespmem:s4+$0x10];
	(xrf2) =	vadd.scan.msk.f32 $0xffff, v56;
	v61 =	vperm.xlane v13, v60  }
0xa5: {  	[tilespmem:$0x1FDA0] =	vst v62;
	v38 =	vld [tilespmem:s2+$0x1C00];
	v62, _, _ =	vpop (xrf2);
	v15 =	vmul.f32 $7.812500000e-03, v5;
	v4 =	vsub.f32 v58, v4;
	(xrf2) =	vadd.scan.msk.f32 $0xffff, v13  }
0xa6: {  	v0 =	vld [tilespmem:s4+$0x90];
	v39, _, _ =	vpop (xrf2);
	(xrf2) =	vadd.scan.msk.f32 $0xffff, v61  }
0xa7: {  	v51 =	vld [tilespmem:s4+$0x20];
	v49, _, _ =	vpop (xrf2);
	v4 =	vmul.f32 $7.812500000e-03, v4;
	v5 =	vmul.f32 v15, v15  }
0xa8: {  	v21 =	vadd.f32 v22, v21;
	v50 =	vld [tilespmem:s2+$0x1C10];
	v24 =	vsub.f32 v28, v15;
	v41, _, _ =	vpop (xrf2)  }
0xa9: {  	v43 =	vperm.xlane v39, v60;
	v58 =	vld [tilespmem:s2+$0x1C30];
	v17 =	vsub.f32 v3, v15;
	v52, _, _ =	vpop (xrf2);
	v4 =	vsub.f32 v4, v5  }
0xaa: {  	v19 =	vsub.f32 v26, v15;
	v9 =	vsub.f32 v27, v15;
	v5 =	vld [tilespmem:s4+$0x30];
	v45 =	vperm.xlane v41, v60;
	v53, _, _ =	vpop (xrf2)  }
0xab: {  	v28 =	vld [tilespmem:s2+$0x1C70];
	v55, _, _ =	vpop (xrf2);
	v56 =	vadd.f32 $9.999999740e-06, v4;
	v4 =	vadd.f32 v62, v43;
	v47 =	vperm.xlane v53, v60  }
0xac: {  	v10 =	vsub.f32 v29, v15;
	v29 =	vld [tilespmem:s4+$0x60];
	v3 =	vadd.f32 v49, v45;
	v44, _, _ =	vpop (xrf2)  }
0xad: {  	s3 =	sadd.s32 $0xD, s0;
	[tilespmem:$0x1FDC0] =	vst v46;
	v62 =	vld [tilespmem:s2+$0x1C50];
	v4 =	vsub.f32 v4, v7;
	v39 =	vadd.f32 v52, v47;
	v46, _, _ =	vpop (xrf2)  }
0xae: {  	[tilespmem:$0x1FDB0] =	vst v40;
	v6 =	vadd.f32 v50, v42;
	v40 =	vperm.xlane v44, v60;
	v52 =	vld [tilespmem:s2+$0x1C60];
	v3 =	vsub.f32 v3, v11;
	s2 =	sshll.u32 s3, $0x9;
	v18, _, _ =	vpop (xrf2)  }
0xaf: {  	p1 =	slt.u32 s3, $0xC8;
	v26 =	vld [tilespmem:s4+$0x70];
	s3 =	sadd.s32 $0xFFFE7000, s2;
	v53 =	vadd.f32 v58, v5;
	v7 =	vsub.f32 v39, v31;
	v4 =	vmul.f32 $7.812500000e-03, v4;
	v37, _, _ =	vpop (xrf2)  }
0xb0: {  	v61 =	vld [tilespmem:s4+$0x50];
	v27 =	vadd.f32 v55, v40;
	s3 =	smov.u32 @p1 s2;
	v31 =	vmul.f32 $7.812500000e-03, v3;
	v20 =	vperm.xlane v18, v60;
	v41, _, _ =	vpop (xrf2)  }
0xb1: {  	v55 =	vadd.f32 v38, v14;
	v14 =	vld [tilespmem:s4+$0xB0];
	s2 =	sshra.s32 s3, $0x2;
	v5 =	vmul.f32 v53, v53;
	v44 =	vperm.xlane v41, v60  }
0xb2: {  	v3 =	vmul.f32 $7.812500000e-03, v7;
	v49 =	vld [tilespmem:s2+$0x1C00];
	v43 =	vadd.f32 v46, v20;
	v46 =	vsub.f32 v27, v16  }
0xb3: {  	v47 =	vmul.f32 v4, v4;
	v22 =	vmul.f32 v55, v55;
	v16 =	vld [tilespmem:s4+$0x80];
	v45 =	vadd.f32 v37, v44  }
0xb4: {  	v38 =	vld [tilespmem:s2+$0x1C30];
	v11 =	vsub.f32 v43, v12;
	v41 =	vmul.f32 $7.812500000e-03, v46;
	v43 =	vmul.f32 v3, v3  }
0xb5: {  	v12 =	vsub.f32 v25, v15;
	v37 =	vld [tilespmem:s2+$0x1C10];
	v46 =	vshra.s32 v56, $0x1;
	v40 =	vsub.f32 v45, v13  }
0xb6: {  	v27 =	vld [tilespmem:s4+$0xA0];
	v20 =	vmul.f32 $7.812500000e-03, v11;
	v11 =	vsub.f32 v2, v15;
	v2 =	vsub.f32 v31, v47  }
0xb7: {  	v47 =	vld [tilespmem:s2+$0x1C20];
	v31 =	vmul.f32 $5.000000000e-01, v56;
	v56 =	vadd.f32 v23, v51;
	v23 =	vmul.f32 v6, v6  }
0xb8: {  	v58 =	vld [tilespmem:s4+$0xC0];
	v25 =	vsub.s32 $0x5F3759DF, v46;
	v8 =	vadd.f32 v49, v16;
	v49 =	vadd.f32 v62, v61  }
0xb9: {  	v61 =	vld [tilespmem:s4+$0xD0];
	v44 =	vmul.f32 $7.812500000e-03, v40;
	v45 =	vmul.f32 v20, v20;
	v39 =	vadd.f32 v23, v22  }
0xba: {  	v50 =	vmul.f32 v25, v31;
	v23 =	vadd.f32 v52, v29;
	v22 =	vld [tilespmem:s2+$0x1C60];
	v7 =	vadd.f32 v37, v0  }
0xbb: {  	v52 =	vadd.f32 v38, v14;
	v0 =	vld [tilespmem:s2+$0x1C40];
	v18 =	vsub.f32 v44, v45;
	v45 =	vmul.f32 v56, v56  }
0xbc: {  	v14 =	vld [tilespmem:s2+$0x1C70];
	v46 =	vmul.f32 v8, v8;
	v51 =	vadd.f32 v47, v27;
	v47 =	vmul.f32 v7, v7  }
0xbd: {  	s3 =	sadd.s32 $0xE, s0;
	v13 =	vsub.f32 v1, v15;
	v50 =	vmul.f32 v25, v50;
	v27 =	vld [tilespmem:s2+$0x1C50];
	v16 =	vadd.f32 v45, v39  }
0xbe: {  	v15 =	vsub.f32 v41, v43;
	s2 =	sshll.u32 s3, $0x9;
	v45 =	vld [tilespmem:s4+$0xE0];
	v1 =	vadd.f32 v47, v46;
	v43 =	vmul.f32 v51, v51  }
0xbf: {  	v42 =	vld [tilespmem:s4+$0x120];
	p1 =	slt.u32 s3, $0xC8;
	v44 =	vmul.f32 v21, v21;
	s3 =	sadd.s32 $0xFFFE7000, s2;
	v46 =	vsub.f32 $1.500000000e+00, v50;
	v16 =	vadd.f32 v5, v16  }
0xc0: {  	v62 =	vld [tilespmem:s4+$0xF0];
	v39 =	vmul.f32 v52, v52;
	s3 =	smov.u32 @p1 s2;
	v58 =	vadd.f32 v0, v58;
	v38 =	vadd.f32 v43, v1  }
0xc1: {  	v2 =	vadd.f32 $9.999999740e-06, v2;
	v37 =	vadd.f32 v28, v26;
	v26 =	vld [tilespmem:s4+$0x100];
	s2 =	sshra.s32 s3, $0x2;
	v25 =	vmul.f32 v25, v46  }
0xc2: {  	v28 =	vld [tilespmem:s2+$0x1C10];
	v16 =	vadd.f32 v44, v16;
	v5 =	vmul.f32 v58, v58;
	v47 =	vadd.f32 v39, v38  }
0xc3: {  	v46 =	vshra.s32 v2, $0x1;
	v1 =	vld [tilespmem:s2+$0x1C20];
	v61 =	vadd.f32 v27, v61;
	v50 =	vadd.f32 v22, v45  }
0xc4: {  	v27 =	vld [tilespmem:s4+$0x110];
	v38 =	vmul.f32 $5.000000000e-01, v2;
	v22 =	vadd.f32 v5, v47;
	v47 =	vmul.f32 v49, v49  }
0xc5: {  	v29 =	vsub.s32 $0x5F3759DF, v46;
	v44 =	vld [tilespmem:s4+$0x130];
	v40 =	vmul.f32 v25, v31;
	v41 =	vmul.f32 v61, v61  }
0xc6: {  	v43 =	vmul.f32 v23, v23;
	v39 =	vld [tilespmem:s2+$0x1C00];
	v2 =	vadd.f32 v47, v16;
	v16 =	vmul.f32 v29, v38  }
0xc7: {  	v45 =	vld [tilespmem:s2+$0x1C30];
	v40 =	vmul.f32 v40, v25;
	v5 =	vmul.f32 v50, v50;
	v0 =	vadd.f32 v41, v22  }
0xc8: {  	v22 =	vadd.f32 v14, v62;
	v62 =	vld [tilespmem:s4+$0x140];
	v43 =	vadd.f32 v43, v2;
	v47 =	vmul.f32 v29, v16  }
0xc9: {  	v41 =	vmul.f32 v37, v37;
	v0 =	vadd.f32 v5, v0;
	v5 =	vsub.f32 $1.500000000e+00, v40;
	v40 =	vld [tilespmem:s2+$0x1C40]  }
0xca: {  	v46 =	vmul.f32 v22, v22;
	v2 =	vadd.f32 v28, v27;
	v14 =	vsub.f32 $1.500000000e+00, v47;
	v47 =	vld [tilespmem:s4+$0x150]  }
0xcb: {  	v27 =	vadd.f32 v7, v8;
	v16 =	vmul.f32 v5, v25;
	v5 =	vadd.f32 v39, v26;
	v39 =	vld [tilespmem:s2+$0x1C50]  }
0xcc: {  	v41 =	vadd.f32 v41, v43;
	v28 =	vmul.f32 v29, v14;
	v14 =	vadd.f32 v46, v0  }
0xcd: {  	v29 =	vadd.f32 v1, v42;
	v0 =	vmul.f32 v5, v5;
	v46 =	vmul.f32 v2, v2  }
0xce: {  	v25 =	vadd.f32 v45, v44;
	v45 =	vmul.f32 v16, v31;
	v62 =	vadd.f32 v40, v62  }
0xcf: {  	v43 =	vld [tilespmem:s4+$0x160];
	v0 =	vadd.f32 v46, v0;
	v46 =	vadd.f32 v6, v55;
	v42 =	vmul.f32 v29, v29  }
0xd0: {  	[tilespmem:$0x1FDD0] =	vst v6;
	v26 =	vld [tilespmem:s2+$0x1C60];
	v6 =	vmul.f32 v28, v38;
	v31 =	vadd.f32 v39, v47;
	v47 =	vmul.f32 v45, v16  }
0xd1: {  	v44 =	vld [tilespmem:s4+$0x170];
	v45 =	vmul.f32 v25, v25;
	v0 =	vadd.f32 v42, v0;
	v1 =	vadd.f32 v56, v46  }
0xd2: {  	v40 =	vmul.f32 v6, v28;
	v6 =	vld [tilespmem:s2+$0x1C70];
	v46 =	vadd.f32 v51, v27;
	v39 =	vsub.f32 $1.500000000e+00, v47  }
0xd3: {  	v47 =	vadd.f32 $9.999999740e-06, v15;
	v1 =	vadd.f32 v53, v1  }
0xd4: {  	[tilespmem:$0x1FDF0] =	vst v7;
	v7 =	vmul.f32 v62, v62;
	v0 =	vadd.f32 v45, v0;
	v40 =	vsub.f32 $1.500000000e+00, v40  }
0xd5: {  	v16 =	vmul.f32 v39, v16;
	v39 =	vadd.f32 v26, v43;
	v26 =	vadd.f32 v52, v46  }
0xd6: {  	[tilespmem:$0x1FDE0] =	vst v8;
	v8 =	vmul.f32 v31, v31;
	v1 =	vadd.f32 v21, v1;
	v0 =	vadd.f32 v7, v0  }
0xd7: {  	v28 =	vmul.f32 v40, v28;
	v40 =	vadd.f32 v2, v5;
	v42 =	vadd.f32 v6, v44  }
0xd8: {  	v27 =	vmul.f32 v16, v24;
	v43 =	vmul.f32 v16, v17;
	v1 =	vadd.f32 v49, v1  }
0xd9: {  	[tilespmem:$0x1FED0] =	vst v5;
	v44 =	vadd.f32 v58, v26;
	v45 =	vmul.f32 v16, v19;
	v46 =	vmul.f32 v16, v9  }
0xda: {  	[tilespmem:$0x1FEF0] =	vst v25;
	v15 =	vmul.f32 v16, v10;
	v19 =	vshra.s32 v47, $0x1;
	v1 =	vadd.f32 v23, v1  }
0xdb: {  	v17 =	vmul.f32 v16, v13;
	v6 =	vmul.f32 $5.000000000e-01, v47;
	v9 =	vsub.s32 $0x5F3759DF, v19;
	[tilespmem:$0x1FE00] =	vst v27  }
0xdc: {  	v26 =	vmul.f32 v28, v38;
	v47 =	vadd.f32 v29, v40;
	[tilespmem:$0x1FE10] =	vst v43;
	v1 =	vadd.f32 v37, v1  }
0xdd: {  	v0 =	vadd.f32 v8, v0;
	[tilespmem:$0x1FE20] =	vst v45;
	v8 =	vadd.f32 v61, v44;
	v27 =	vmul.f32 v9, v6  }
0xde: {  	[tilespmem:$0x1FE30] =	vst v46;
	v46 =	vmul.f32 v26, v28;
	v25 =	vadd.f32 v25, v47;
	v24 =	vperm.xlane v1, v60  }
0xdf: {  	v43 =	vperm.xlane v41, v60;
	v45 =	vmul.f32 v16, v12;
	v8 =	vadd.f32 v50, v8;
	(xrf2) =	vadd.scan.msk.f32 $0xffff, v1  }
0xe0: {  	v40 =	vld [tilespmem:$0x1FD10];
	v5 =	vmul.f32 v9, v27;
	v12 =	vadd.f32 v62, v25;
	(xrf2) =	vadd.scan.msk.f32 $0xffff, v24;
	v24 =	vsub.f32 $1.500000000e+00, v46  }
0xe1: {  	v19 =	vmul.f32 v16, v11;
	v44 =	vmul.f32 v39, v39;
	v8 =	vadd.f32 v22, v8;
	(xrf2) =	vadd.scan.msk.f32 $0xffff, v41  }
0xe2: {  	v10 =	vsub.f32 $1.500000000e+00, v5;
	v12 =	vadd.f32 v31, v12;
	(xrf2) =	vadd.scan.msk.f32 $0xffff, v43;
	v11 =	vmul.f32 v24, v28;
	v28 =	vld [tilespmem:$0x1FD00]  }
0xe3: {  	[tilespmem:$0x1FEE0] =	vst v2;
	v0 =	vadd.f32 v44, v0;
	v27 =	vmul.f32 v42, v42;
	v7 =	vperm.xlane v8, v60;
	v46 =	vld [tilespmem:$0x1FD20]  }
0xe4: {  	v25 =	vsub.f32 v33, v4;
	v9 =	vmul.f32 v9, v10;
	v12 =	vadd.f32 v39, v12;
	(xrf2) =	vadd.scan.msk.f32 $0xffff, v8  }
0xe5: {  	v26 =	vperm.xlane v14, v60;
	v13 =	vadd.f32 v27, v0;
	v43 =	vsub.f32 v40, v4;
	(xrf2) =	vadd.scan.msk.f32 $0xffff, v7  }
0xe6: {  	v0 =	vmul.f32 v9, v6;
	v24 =	vsub.f32 v35, v4;
	v12 =	vadd.f32 v42, v12;
	(xrf2) =	vadd.scan.msk.f32 $0xffff, v14  }
0xe7: {  	v5 =	vmul.f32 v11, v43;
	v7 =	vsub.f32 v36, v4;
	(xrf2) =	vadd.scan.msk.f32 $0xffff, v26;
	v38 =	vsub.f32 v28, v4  }
0xe8: {  	[tilespmem:$0x1FE50] =	vst v17;
	v36 =	vmul.f32 v11, v24;
	v43 =	vmul.f32 v11, v25;
	v47 =	vsub.f32 v46, v4  }
0xe9: {  	[tilespmem:$0x1FE60] =	vst v45;
	v2 =	vperm.xlane v12, v60;
	v26, _, _ =	vpop (xrf2);
	v45 =	vmul.f32 v11, v38;
	v38 =	vadd.f32 $9.999999740e-06, v18;
	v18 =	vld [tilespmem:$0x1FD30]  }
0xea: {  	v16 =	vsub.f32 v34, v4;
	[tilespmem:$0x1FE70] =	vst v19;
	v35 =	vmul.f32 v11, v7;
	v47 =	vmul.f32 v11, v47;
	v40, _, _ =	vpop (xrf2)  }
0xeb: {  	[tilespmem:$0x1FE80] =	vst v5;
	v28, _, _ =	vpop (xrf2);
	v44 =	vshra.s32 v38, $0x1;
	v7 =	vmul.f32 $5.000000000e-01, v38;
	v10 =	vperm.xlane v40, v60  }
0xec: {  	v4 =	vsub.f32 v30, v4;
	(xrf2) =	vadd.scan.msk.f32 $0xffff, v12;
	v46, _, _ =	vpop (xrf2);
	v33 =	vsub.s32 $0x5F3759DF, v44;
	v44 =	vmul.f32 v11, v16  }
0xed: {  	(xrf2) =	vadd.scan.msk.f32 $0xffff, v2;
	v5 =	vperm.xlane v46, v60;
	v24 =	vmul.f32 v33, v7;
	v10 =	vadd.f32 v26, v10  }
0xee: {  	v19 =	vld [tilespmem:$0x1FD40];
	[tilespmem:$0x1FEA0] =	vst v36;
	v36, _, _ =	vpop (xrf2);
	v26 =	vmul.f32 v0, v9;
	v0 =	vperm.xlane v13, v60;
	v17 =	vsub.f32 v18, v3  }
0xef: {  	v25, _, _ =	vpop (xrf2);
	v18 =	vsub.f32 v48, v3;
	v28 =	vadd.f32 v28, v5;
	v2 =	vmul.f32 v33, v24  }
0xf0: {  	(xrf2) =	vadd.scan.msk.f32 $0xffff, v13;
	v40, _, _ =	vpop (xrf2);
	v24 =	vperm.xlane v25, v60;
	v26 =	vsub.f32 $1.500000000e+00, v26;
	v1 =	vsub.f32 v10, v1  }
0xf1: {  	s0 =	sadd.s32 $0xF, s0;
	v46 =	vmul.f32 v11, v4;
	(xrf2) =	vadd.scan.msk.f32 $0xffff, v0;
	v5 =	vsub.f32 v32, v3;
	v25, _, _ =	vpop (xrf2);
	v38 =	vsub.f32 $1.500000000e+00, v2  }
0xf2: {  	s2 =	sshll.u32 s0, $0x9;
	v27 =	vperm.xlane v25, v60;
	v36 =	vadd.f32 v36, v24;
	v9 =	vmul.f32 v26, v9;
	v25 =	vld [tilespmem:$0x1FD50]  }
0xf3: {  	p1 =	slt.u32 s0, $0xC8;
	s0 =	sadd.s32 $0xFFFE7000, s2;
	v41 =	vsub.f32 v28, v41;
	v28 =	vsub.f32 v19, v3;
	v26 =	vld [tilespmem:$0x1FD60];
	v11 =	vmul.f32 v33, v38  }
0xf4: {  	s0 =	smov.u32 @p1 s2;
	v40 =	vadd.f32 v40, v27;
	v4 =	vsub.f32 v36, v8;
	v6 =	vmul.f32 v9, v6  }
0xf5: {  	s0 =	sshra.s32 s0, $0x2;
	v33 =	vsub.f32 v57, v3;
	v16 =	vmul.f32 $7.812500000e-03, v41;
	v24 =	vmul.f32 v11, v7  }
0xf6: {  	[tilespmem:$0x1FEB0] =	vst v43;
	v32 =	vld [tilespmem:s0+$0x1C00];
	v43 =	vsub.f32 v40, v14;
	v6 =	vmul.f32 v6, v9;
	v14 =	vmul.f32 $7.812500000e-03, v1;
	v27, _, _ =	vpop (xrf2)  }
0xf7: {  	v36 =	vld [tilespmem:s4+$0x180];
	v10 =	vmul.f32 $7.812500000e-03, v4;
	v34 =	vsub.f32 v25, v3;
	v48, _, _ =	vpop (xrf2);
	v30 =	vmul.f32 v24, v11  }
0xf8: {  	[tilespmem:$0x1FE90] =	vst v35;
	v35 =	vsub.f32 v26, v3;
	v8 =	vmul.f32 $7.812500000e-03, v43;
	v4 =	vperm.xlane v48, v60  }
0xf9: {  	[tilespmem:$0x1FE40] =	vst v15;
	v38 =	vld [tilespmem:s4+$0x190];
	v6 =	vsub.f32 $1.500000000e+00, v6;
	v15 =	vmul.f32 v14, v14;
	v24 =	vmul.f32 v10, v10  }
0xfa: {  	v26 =	vld [tilespmem:s0+$0x1C10];
	v57, _, _ =	vpop (xrf2);
	v1 =	vadd.f32 v27, v4;
	v27 =	vsub.f32 $1.500000000e+00, v30  }
0xfb: {  	v25, _, _ =	vpop (xrf2);
	v48 =	vmul.f32 v6, v9;
	v43 =	vsub.f32 v16, v15;
	v2 =	vsub.f32 v8, v24;
	v9 =	vld [tilespmem:s4+$0x1A0]  }
0xfc: {  	v30 =	vadd.f32 v32, v36;
	v36 =	vld [tilespmem:s4+$0x1C0];
	v40 =	vperm.xlane v25, v60;
	v11 =	vmul.f32 v27, v11  }
0xfd: {  	v25 =	vld [tilespmem:s0+$0x1C30];
	v8 =	vsub.f32 v1, v12;
	v16 =	vmul.f32 v48, v17;
	v1 =	vadd.f32 $9.999999740e-06, v43  }
0xfe: {  	v3 =	vsub.f32 v54, v3;
	v17 =	vld [tilespmem:s4+$0x1B0];
	v41 =	vmul.f32 v48, v35;
	v35 =	vmul.f32 v48, v18  }
0xff: {  	v12 =	vadd.f32 v57, v40;
	v57 =	vld [tilespmem:s0+$0x1C20];
	v27 =	vshra.s32 v1, $0x1;
	v54 =	vmul.f32 $5.000000000e-01, v1  }
0x100: {  	v32 =	vadd.f32 v26, v38;
	v26 =	vmul.f32 v48, v28;
	[tilespmem:$0x1FEC0] =	vst v35;
	v35 =	vld [tilespmem:s0+$0x1C40];
	v18 =	vsub.s32 $0x5F3759DF, v27  }
0x101: {  	v15 =	vmul.f32 v48, v5;
	v5 =	vld [tilespmem:$0x1FD90];
	v43 =	vmul.f32 v18, v54  }
0x102: {  	v38 =	vmul.f32 v48, v33;
	v40 =	vmul.f32 v48, v34  }
0x103: {  	v7 =	vmul.f32 v11, v7;
	v12 =	vsub.f32 v12, v13;
	v13 =	vmul.f32 v18, v43  }
0x104: {  	v1 =	vmul.f32 v30, v30;
	v4 =	vmul.f32 v32, v32;
	v33 =	vadd.f32 v57, v9  }
0x105: {  	v0 =	vld [tilespmem:s4+$0x1D0];
	v6 =	vmul.f32 v7, v11;
	v35 =	vadd.f32 v35, v36;
	v36 =	vsub.f32 $1.500000000e+00, v13  }
0x106: {  	v24 =	vld [tilespmem:$0x1FD80];
	v34 =	vadd.f32 v25, v17;
	v25 =	vmul.f32 v48, v3;
	v5 =	vsub.f32 v5, v20  }
0x107: {  	v17 =	vld [tilespmem:$0x1FD70];
	v9 =	vadd.f32 v4, v1;
	v7 =	vmul.f32 v33, v33;
	v18 =	vmul.f32 v18, v36  }
0x108: {  	v19 =	vld [tilespmem:s0+$0x1C50];
	v3 =	vmul.f32 $7.812500000e-03, v8;
	v12 =	vmul.f32 $7.812500000e-03, v12;
	v43 =	vsub.f32 $1.500000000e+00, v6  }
0x109: {  	v57 =	vadd.f32 $9.999999740e-06, v2;
	v9 =	vadd.f32 v7, v9;
	v7 =	vmul.f32 v18, v54  }
0x10a: {  	v6 =	vld [tilespmem:$0x1FDA0];
	v48 =	vmul.f32 v34, v34;
	v2 =	vmul.f32 v43, v11;
	v11 =	vsub.f32 v63, v20  }
0x10b: {  	v63 =	vshra.s32 v57, $0x1;
	v4 =	vmul.f32 $5.000000000e-01, v57;
	v13 =	vmul.f32 v7, v18;
	v7 =	vld [tilespmem:$0x1FDB0]  }
0x10c: {  	v57 =	vsub.f32 v24, v20;
	v24 =	vld [tilespmem:$0x1FDC0];
	v28 =	vsub.f32 v17, v20;
	v17 =	vsub.s32 $0x5F3759DF, v63  }
0x10d: {  	v1 =	vmul.f32 v35, v35;
	v36 =	vadd.f32 v19, v0;
	v43 =	vmovc v60;
	v60 =	vld [tilespmem:s0+$0x1C60];
	v27 =	vmul.f32 v17, v4  }
0x10e: {  	v19 =	vsub.f32 v59, v20;
	v0 =	vmul.f32 v3, v3;
	v9 =	vadd.f32 v48, v9;
	v48 =	vld [tilespmem:s4+$0x1E0]  }
0x10f: {  	v8 =	vld [tilespmem:s4+$0x1F0];
	v6 =	vsub.f32 v6, v20;
	v59 =	vmul.f32 v17, v27;
	v13 =	vsub.f32 $1.500000000e+00, v13  }
0x110: {  	v63 =	vld [tilespmem:s0+$0x1C70];
	v0 =	vsub.f32 v12, v0;
	v12 =	vmul.f32 v2, v19;
	v7 =	vsub.f32 v7, v20  }
0x111: {  	v20 =	vsub.f32 v24, v20;
	v24 =	vmul.f32 v13, v18;
	v18 =	vsub.f32 $1.500000000e+00, v59  }
0x112: {  	v27 =	vmul.f32 v36, v36;
	v1 =	vadd.f32 v1, v9;
	v0 =	vadd.f32 $9.999999740e-06, v0  }
0x113: {  	v59 =	vmul.f32 v17, v18;
	v18 =	vadd.f32 v60, v48;
	v48 =	vadd.f32 v32, v30  }
0x114: {  	v1 =	vadd.f32 v27, v1;
	v27 =	vmul.f32 v2, v6;
	v13 =	vmul.f32 v2, v57  }
0x115: {  	v17 =	vadd.f32 v63, v8;
	v8 =	vmul.f32 v2, v28;
	v19 =	vadd.f32 v33, v48  }
0x116: {  	v57 =	vshra.s32 v0, $0x1;
	v48 =	vmul.f32 v2, v5;
	v60 =	vmul.f32 v18, v18  }
0x117: {  	v5 =	vmul.f32 v24, v54;
	v54 =	vmul.f32 $5.000000000e-01, v0;
	v28 =	vadd.f32 v34, v19  }
0x118: {  	v9 =	vmul.f32 v59, v4;
	v19 =	vsub.s32 $0x5F3759DF, v57;
	v0 =	vadd.f32 v60, v1  }
0x119: {  	v60 =	vmul.f32 v19, v54;
	v6 =	vadd.f32 v35, v28;
	v28 =	vmul.f32 v5, v24  }
0x11a: {  	v5 =	vmul.f32 v2, v7;
	v7 =	vmul.f32 v9, v59  }
0x11b: {  	v53 =	vsub.f32 v53, v14;
	v9 =	vmul.f32 v2, v20;
	v6 =	vadd.f32 v36, v6  }
0x11c: {  	v57 =	vmul.f32 v19, v60;
	v1 =	vsub.f32 $1.500000000e+00, v28;
	v20 =	vsub.f32 $1.500000000e+00, v7  }
0x11d: {  	v11 =	vmul.f32 v2, v11;
	v28 =	vmul.f32 v17, v17;
	v6 =	vadd.f32 v18, v6  }
0x11e: {  	v1 =	vmul.f32 v1, v24;
	v24 =	vsub.f32 $1.500000000e+00, v57;
	v2 =	vmul.f32 v20, v59;
	v59 =	vld [tilespmem:$0x1FDD0]  }
0x11f: {  	v7 =	vadd.f32 v28, v0;
	v6 =	vadd.f32 v17, v6  }
0x120: {  	v28 =	vsub.f32 v55, v14;
	v20 =	vsub.f32 v21, v14;
	v24 =	vmul.f32 v19, v24  }
0x121: {  	v19 =	vsub.f32 v56, v14;
	v4 =	vmul.f32 v2, v4;
	v60 =	vperm.xlane v6, v43  }
0x122: {  	v55 =	vmul.f32 v1, v28;
	v28 =	vsub.f32 v49, v14;
	v56 =	vsub.f32 v23, v14;
	(xrf2) =	vadd.scan.msk.f32 $0xffff, v6  }
0x123: {  	v0 =	vsub.f32 v59, v14;
	(xrf2) =	vadd.scan.msk.f32 $0xffff, v60;
	v60 =	vsub.f32 v37, v14;
	v14 =	vmul.f32 v1, v19;
	v19 =	vld [tilespmem:$0x1FDE0]  }
0x124: {  	v4 =	vmul.f32 v4, v2  }
0x125: {  	v49 =	vperm.xlane v7, v43;
	v23 =	vmul.f32 v1, v20;
	v20 =	vld [tilespmem:$0x1FDF0]  }
0x126: {  	v28 =	vmul.f32 v1, v28;
	v56 =	vmul.f32 v1, v56;
	v4 =	vsub.f32 $1.500000000e+00, v4  }
0x127: {  	v21 =	vsub.f32 v58, v10;
	v37 =	vmul.f32 v1, v0;
	v0 =	vmul.f32 v1, v53  }
0x128: {  	v53 =	vmul.f32 v1, v60;
	v1 =	vmul.f32 v4, v2;
	v2 =	vsub.f32 v19, v10  }
0x129: {  	v58 =	vsub.f32 v61, v10;
	(xrf2) =	vadd.scan.msk.f32 $0xffff, v7;
	v19 =	vsub.f32 v51, v10  }
0x12a: {  	v61 =	vld [tilespmem:$0x1FF00];
	(xrf2) =	vadd.scan.msk.f32 $0xffff, v49;
	v4 =	vsub.f32 v20, v10;
	v20 =	vmul.f32 v24, v54;
	v49 =	vmul.f32 v1, v2  }
0x12b: {  	v2 =	vsub.f32 v52, v10;
	v52 =	vmul.f32 v1, v19;
	v19 =	vmul.f32 v1, v58;
	v58 =	vld [tilespmem:$0x1FE00]  }
0x12c: {  	v60 =	vmul.f32 v20, v24  }
0x12d: {  	v59 =	vsub.f32 v50, v10;
	v20 =	vmul.f32 v1, v21;
	v10 =	vsub.f32 v22, v10;
	v22 =	vld [tilespmem:$0x1FF80];
	v21, _, _ =	vpop (xrf2)  }
0x12e: {  	v51 =	vmul.f32 v1, v4;
	v4 =	vsub.f32 $1.500000000e+00, v60;
	v57, _, _ =	vpop (xrf2)  }
0x12f: {  	v57 =	vperm.xlane v57, v43  }
0x130: {  	v4 =	vmul.f32 v4, v24;
	v24 =	vmul.f32 v58, v61  }
0x131: {  	v21 =	vadd.f32 v21, v57;
	v57 =	vld [tilespmem:$0x1FF20]  }
0x132: {  	v24 =	vadd.f32 v24, v22;
	v22 =	vld [tilespmem:$0x1FE20]  }
0x133: {  	v63 =	vld [tilespmem:$0x1FF10]  }
0x134: {  	[tilespmem:s31+$0xFFFFFE00] =	vst v24;
	v24 =	vld [tilespmem:$0x1FFA0]  }
0x135: {  	v50 =	vmul.f32 v1, v2;
	v2 =	vmul.f32 v1, v59;
	v59 =	vld [tilespmem:$0x1FE10];
	_ =	sdelay $0x1  }
0x136: {  	v57 =	vmul.f32 v22, v57;
	v22 =	vld [tilespmem:$0x1FF90]  }
0x137: {  	v10 =	vmul.f32 v1, v10;
	v1, _, _ =	vpop (xrf2)  }
0x138: {  	v58, _, _ =	vpop (xrf2);
	v6 =	vsub.f32 v21, v6;
	v21 =	vadd.f32 v57, v24;
	v24 =	vld [tilespmem:$0x1FF40]  }
0x139: {  	v58 =	vperm.xlane v58, v43;
	v59 =	vmul.f32 v59, v63;
	v57 =	vld [tilespmem:$0x1FE40];
	_ =	sdelay $0x1  }
0x13a: {  	v1 =	vadd.f32 v1, v58;
	v58 =	vadd.f32 v59, v22;
	v59 =	vld [tilespmem:$0x1FF30]  }
0x13b: {  	v22 =	vld [tilespmem:$0x1FE30]  }
0x13c: {  	v7 =	vsub.f32 v1, v7;
	v1 =	vld [tilespmem:$0x1FF50]  }
0x13d: {  	v24 =	vmul.f32 v57, v24;
	v57 =	vld [tilespmem:$0x1FFB0]  }
0x13e: {  	[tilespmem:s31+$0xFFFFFE10] =	vst v58;
	v58 =	vld [tilespmem:$0x1FE50];
	_ =	sdelay $0x1  }
0x13f: {  	v59 =	vmul.f32 v22, v59;
	v22 =	vld [tilespmem:$0x1FFC0];
	_ =	sdelay $0x1  }
0x140: {  	v57 =	vadd.f32 v59, v57  }
0x141: {  	v58 =	vmul.f32 v58, v1;
	v1 =	vld [tilespmem:$0x1FF60]  }
0x142: {  	[tilespmem:s31+$0xFFFFFE30] =	vst v57;
	v57 =	vld [tilespmem:$0x1FFD0]  }
0x143: {  	[tilespmem:s31+$0xFFFFFE20] =	vst v21;
	v21 =	vadd.f32 v24, v22;
	v24 =	vld [tilespmem:$0x1FE60];
	_ =	sdelay $0x2  }
0x144: {  	v22 =	vld [tilespmem:$0x1FE70]  }
0x145: {  	[tilespmem:s31+$0xFFFFFE40] =	vst v21;
	v21 =	vld [tilespmem:$0x1FFE0]  }
0x146: {  	v24 =	vmul.f32 v24, v1;
	v1 =	vmul.f32 $7.812500000e-03, v6;
	v6 =	vadd.f32 v58, v57;
	v57 =	vld [tilespmem:$0x1FF70];
	_ =	sdelay $0x3  }
0x147: {  	v7 =	vmul.f32 $7.812500000e-03, v7;
	v21 =	vadd.f32 v24, v21;
	v24 =	vmul.f32 v1, v1  }
0x148: {  	v57 =	vmul.f32 v22, v57;
	v22 =	vld [tilespmem:$0x1FFF0]  }
0x149: {  	v7 =	vsub.f32 v7, v24;
	v24 =	vld [tilespmem:$0x1FF80];
	_ =	sdelay $0x2  }
0x14a: {  	v45 =	vmul.f32 v45, v61;
	v58 =	vld [tilespmem:$0x1FF20]  }
0x14b: {  	[tilespmem:s31+$0xFFFFFE50] =	vst v6;
	v6 =	vadd.f32 v57, v22;
	v57 =	vld [tilespmem:$0x1FE80]  }
0x14c: {  	[tilespmem:s31+$0xFFFFFE60] =	vst v21;
	v21 =	vadd.f32 v45, v24;
	v45 =	vld [tilespmem:$0x1FF90]  }
0x14d: {  	v22 =	vld [tilespmem:$0x1FFA0];
	_ =	sdelay $0x2  }
0x14e: {  	v47 =	vmul.f32 v47, v58;
	v57 =	vmul.f32 v57, v63;
	_ =	sdelay $0x1  }
0x14f: {  	[tilespmem:s31+$0xFFFFFE70] =	vst v6;
	v6 =	vadd.f32 v57, v45;
	v45 =	vadd.f32 v47, v22;
	v47 =	vld [tilespmem:$0x1FF40]  }
0x150: {  	v57 =	vld [tilespmem:$0x1FEA0];
	_ =	sdelay $0x1  }
0x151: {  	v59 =	vld [tilespmem:$0x1FF30]  }
0x152: {  	v24 =	vld [tilespmem:$0x1FE90];
	_ =	sdelay $0x1  }
0x153: {  	v47 =	vmul.f32 v57, v47;
	v57 =	vld [tilespmem:$0x1FFB0];
	_ =	sdelay $0x2  }
0x154: {  	v24 =	vmul.f32 v24, v59  }
0x155: {  	v22 =	vld [tilespmem:$0x1FF60]  }
0x156: {  	[tilespmem:s31+$0xFFFFFE80] =	vst v21;
	v21 =	vadd.f32 v24, v57;
	v24 =	vld [tilespmem:$0x1FF50]  }
0x157: {  	v57 =	vld [tilespmem:$0x1FEB0];
	_ =	sdelay $0x3  }
0x158: {  	v44 =	vmul.f32 v44, v22;
	v22 =	vld [tilespmem:$0x1FF70]  }
0x159: {  	v24 =	vmul.f32 v57, v24;
	v57 =	vld [tilespmem:$0x1FFC0];
	_ =	sdelay $0x3  }
0x15a: {  	v46 =	vmul.f32 v46, v22;
	v22 =	vld [tilespmem:$0x1FFE0]  }
0x15b: {  	[tilespmem:s31+$0xFFFFFE90] =	vst v6;
	v6 =	vadd.f32 v47, v57;
	v57 =	vld [tilespmem:$0x1FFD0];
	_ =	sdelay $0x3  }
0x15c: {  	v54 =	vmul.f32 v4, v54;
	v44 =	vadd.f32 v44, v22;
	v22 =	vld [tilespmem:$0x1FF80]  }
0x15d: {  	v24 =	vadd.f32 v24, v57;
	v57 =	vld [tilespmem:$0x1FFF0]  }
0x15e: {  	[tilespmem:s31+$0xFFFFFEA0] =	vst v45;
	v45 =	vmul.f32 v54, v4;
	v54 =	vld [tilespmem:$0x1FF50]  }
0x15f: {  	v16 =	vmul.f32 v16, v61;
	[tilespmem:s31+$0xFFFFFEE0] =	vst v44;
	v44 =	vld [tilespmem:$0x1FFB0]  }
0x160: {  	v47 =	vld [tilespmem:$0x1FF40]  }
0x161: {  	v16 =	vadd.f32 v16, v22;
	v22 =	vld [tilespmem:$0x1FF60]  }
0x162: {  	[tilespmem:s31+$0xFFFFFEB0] =	vst v21;
	v21 =	vadd.f32 v46, v57;
	v57 =	vld [tilespmem:$0x1FEC0]  }
0x163: {  	[tilespmem:s31+$0xFFFFFEC0] =	vst v6;
	v6 =	vmul.f32 v38, v58;
	v38 =	vsub.f32 $1.500000000e+00, v45;
	v46 =	vld [tilespmem:$0x1FF90]  }
0x164: {  	v45 =	vld [tilespmem:$0x1FFC0]  }
0x165: {  	v4 =	vmul.f32 v38, v4;
	v38 =	vld [tilespmem:$0x1FFB0]  }
0x166: {  	v26 =	vmul.f32 v26, v63;
	v15 =	vmul.f32 v15, v22;
	v22 =	vld [tilespmem:$0x1FF80]  }
0x167: {  	v7 =	vadd.f32 $9.999999740e-06, v7;
	[tilespmem:s31+$0xFFFFFEF0] =	vst v21;
	v21 =	vmul.f32 v57, v54;
	v54 =	vld [tilespmem:$0x1FFA0]  }
0x168: {  	[tilespmem:s31+$0xFFFFFED0] =	vst v24;
	v24 =	vadd.f32 v26, v46;
	v26 =	vmul.f32 v40, v59;
	v40 =	vmul.f32 v41, v47;
	v46 =	vld [tilespmem:$0x1FF70]  }
0x169: {  	v41 =	vshra.s32 v7, $0x1;
	v7 =	vmul.f32 $5.000000000e-01, v7;
	v47 =	vld [tilespmem:$0x1FFD0]  }
0x16a: {  	v41 =	vsub.s32 $0x5F3759DF, v41;
	[tilespmem:s31+$0xFFFFFF10] =	vst v24;
	v24 =	vadd.f32 v26, v44;
	v26 =	vadd.f32 v40, v45;
	v40 =	vld [tilespmem:$0x1FFC0]  }
0x16b: {  	v57 =	vmul.f32 v41, v7;
	v44 =	vld [tilespmem:$0x1FED0]  }
0x16c: {  	v45 =	vld [tilespmem:$0x1FEE0]  }
0x16d: {  	[tilespmem:s31+$0xFFFFFF00] =	vst v16;
	v16 =	vmul.f32 v41, v57;
	v57 =	vld [tilespmem:$0x1FFF0]  }
0x16e: {  	[tilespmem:s31+$0xFFFFFF40] =	vst v26;
	v26 =	vld [tilespmem:$0x1FFA0]  }
0x16f: {  	[tilespmem:s31+$0xFFFFFF30] =	vst v24;
	v24 =	vld [tilespmem:$0x1FF90];
	v6 =	vadd.f32 v6, v54  }
0x170: {  	v25 =	vmul.f32 v25, v46;
	v54 =	vld [tilespmem:$0x1FFE0]  }
0x171: {  	v8 =	vmul.f32 v8, v58;
	[tilespmem:s31+$0xFFFFFF20] =	vst v6;
	v6 =	vadd.f32 v21, v47;
	v47 =	vld [tilespmem:$0x1FF60]  }
0x172: {  	v11 =	vmul.f32 v11, v61;
	v21 =	vadd.f32 v25, v57;
	v25 =	vld [tilespmem:$0x1FF40]  }
0x173: {  	v12 =	vmul.f32 v12, v63;
	v8 =	vadd.f32 v8, v26;
	v26 =	vsub.f32 v62, v3;
	v62 =	vld [tilespmem:$0x1FF40]  }
0x174: {  	[tilespmem:s31+$0xFFFFFF50] =	vst v6;
	v6 =	vadd.f32 v11, v22;
	v57 =	vld [tilespmem:$0x1FF70]  }
0x175: {  	v11 =	vadd.f32 v12, v24;
	v24 =	vsub.f32 v29, v3;
	v29 =	vld [tilespmem:$0x1FFF0]  }
0x176: {  	v15 =	vadd.f32 v15, v54;
	v54 =	vld [tilespmem:$0x1FFD0]  }
0x177: {  	v16 =	vsub.f32 $1.500000000e+00, v16;
	[tilespmem:s31+$0xFFFFFFA0] =	vst v8;
	v8 =	vsub.f32 v31, v3;
	v31 =	vmul.f32 v37, v63;
	v37 =	vld [tilespmem:$0x1FF80]  }
0x178: {  	[tilespmem:s31+$0xFFFFFF70] =	vst v21;
	v21 =	vsub.f32 v44, v3;
	v44 =	vld [tilespmem:$0x1FF50]  }
0x179: {  	[tilespmem:s31+$0xFFFFFF60] =	vst v15;
	v15 =	vmul.f32 v41, v16;
	v41 =	vld [tilespmem:$0x1FF50]  }
0x17a: {  	v5 =	vmul.f32 v5, v47;
	v47 =	vld [tilespmem:$0x1FFC0]  }
0x17b: {  	v12 =	vmul.f32 v48, v25;
	v46 =	vmul.f32 v15, v7;
	v48 =	vld [tilespmem:$0x1FEF0]  }
0x17c: {  	v9 =	vmul.f32 v9, v57;
	v57 =	vmul.f32 v50, v59;
	v50 =	vld [tilespmem:$0x1FFE0]  }
0x17d: {  	v12 =	vadd.f32 v12, v40;
	v40 =	vld [tilespmem:$0x1FFA0]  }
0x17e: {  	v25 =	vmul.f32 v46, v15;
	v46 =	vld [tilespmem:$0x1FF60]  }
0x17f: {  	[tilespmem:s31+$0xFFFFFF80] =	vst v6;
	v6 =	vsub.f32 v45, v3;
	v45 =	vmul.f32 v28, v44;
	v28 =	vld [tilespmem:$0x1FF80]  }
0x180: {  	v13 =	vmul.f32 v13, v59;
	v9 =	vadd.f32 v9, v29;
	v44 =	vld [tilespmem:$0x1FF50]  }
0x181: {  	v29 =	vmul.f32 v4, v24;
	v16 =	vmul.f32 v27, v41;
	v27 =	vsub.f32 v39, v3;
	v39 =	vld [tilespmem:$0x1FF90]  }
0x182: {  	v13 =	vadd.f32 v13, v38;
	v22 =	vmul.f32 v55, v61;
	v41 =	vmul.f32 v23, v62;
	v23 =	vld [tilespmem:$0x1FFF0]  }
0x183: {  	v55 =	vmul.f32 v52, v58;
	v52 =	vmul.f32 v29, v58;
	v29 =	vld [tilespmem:$0x1FF80]  }
0x184: {  	[tilespmem:s31+$0xFFFFFFB0] =	vst v13;
	v13 =	vadd.f32 v16, v54;
	v16 =	vld [tilespmem:$0x1FFE0]  }
0x185: {  	[tilespmem:s31+$0xFFFFFF90] =	vst v11;
	v11 =	vsub.f32 v48, v3;
	v48 =	vld [tilespmem:$0x1FF70]  }
0x186: {  	v14 =	vmul.f32 v14, v58;
	[tilespmem:s31+$0xFFFFFFC0] =	vst v12;
	v12 =	vadd.f32 v22, v37;
	v3 =	vsub.f32 v42, v3;
	v42 =	vld [tilespmem:$0x1FFB0]  }
0x187: {  	v22 =	vsub.f32 v32, v1;
	v32 =	vsub.f32 v33, v1;
	v33 =	vld [tilespmem:$0x1FFF0]  }
0x188: {  	[tilespmem:s31+$0xFFFFFFD0] =	vst v13;
	v13 =	vadd.f32 v14, v40;
	v40 =	vld [tilespmem:$0x1FFA0]  }
0x189: {  	v38 =	vmul.f32 v0, v59;
	[tilespmem:s31+$0xFFFFFFF0] =	vst v9;
	v9 =	vadd.f32 v31, v39;
	v31 =	vld [tilespmem:$0x1FF90]  }
0x18a: {  	v25 =	vsub.f32 $1.500000000e+00, v25;
	[tilespmem:s31+$0x0] =	vst v12;
	v5 =	vadd.f32 v5, v16;
	v14 =	vmul.f32 v53, v48;
	v53 =	vld [tilespmem:$0x1FFD0]  }
0x18b: {  	v12 =	vadd.f32 v38, v42;
	[tilespmem:s31+$0x10] =	vst v9;
	v42 =	vld [tilespmem:$0x1FFB0]  }
0x18c: {  	v9 =	vadd.f32 v41, v47;
	[tilespmem:s31+$0xFFFFFFE0] =	vst v5;
	v5 =	vmul.f32 v25, v15;
	v15 =	vmul.f32 v56, v46;
	v56 =	vld [tilespmem:$0x1FFE0]  }
0x18d: {  	[tilespmem:s31+$0x20] =	vst v13;
	v46 =	vld [tilespmem:$0x1FF60]  }
0x18e: {  	[tilespmem:s31+$0x40] =	vst v9;
	v9 =	vadd.f32 v14, v23;
	v25 =	vmul.f32 v4, v21;
	v21 =	vld [tilespmem:$0x1FF50]  }
0x18f: {  	v49 =	vmul.f32 v49, v61;
	v39 =	vmul.f32 v4, v3;
	v47 =	vld [tilespmem:$0x1FF70];
	[tilespmem:s31+$0x30] =	vst v12;
	v3 =	vadd.f32 v55, v40  }
0x190: {  	v8 =	vmul.f32 v4, v8;
	v16 =	vld [tilespmem:$0x1FFD0];
	v7 =	vmul.f32 v5, v7;
	[tilespmem:s31+$0x70] =	vst v9;
	v0 =	vadd.f32 v45, v53  }
0x191: {  	v54 =	vmul.f32 v51, v63;
	v38 =	vmul.f32 v4, v27;
	v27 =	vld [tilespmem:$0x1FF70];
	[tilespmem:s31+$0xA0] =	vst v3;
	v12 =	vadd.f32 v15, v56  }
0x192: {  	v45 =	vld [tilespmem:$0x1FFC0];
	v7 =	vmul.f32 v7, v5;
	[tilespmem:s31+$0x50] =	vst v0;
	v0 =	vadd.f32 v49, v28;
	v2 =	vmul.f32 v2, v46  }
0x193: {  	v6 =	vmul.f32 v4, v6;
	v51 =	vld [tilespmem:$0x1FFF0];
	v8 =	vmul.f32 v8, v21;
	[tilespmem:s31+$0x60] =	vst v12;
	v12 =	vadd.f32 v54, v31  }
0x194: {  	v37 =	vmul.f32 v4, v26;
	v48 =	vld [tilespmem:$0x1FFD0];
	v7 =	vsub.f32 $1.500000000e+00, v7;
	[tilespmem:s31+$0x80] =	vst v0;
	v2 =	vadd.f32 v2, v50  }
0x195: {  	v11 =	vmul.f32 v4, v11;
	v41 =	vmul.f32 v20, v62;
	v56 =	vld [tilespmem:$0x1FFA0];
	v26 =	vadd.f32 v8, v16;
	[tilespmem:s31+$0x90] =	vst v12  }
0x196: {  	v20 =	vld [tilespmem:$0x1FFB0];
	v0 =	vmul.f32 v39, v27;
	v5 =	vmul.f32 v7, v5;
	v7 =	vadd.f32 v57, v42;
	[tilespmem:s31+$0xE0] =	vst v2  }
0x197: {  	v4 =	vmul.f32 v10, v47;
	v54 =	vld [tilespmem:$0x1FF90];
	v3 =	vadd.f32 v41, v45;
	[tilespmem:s31+$0x150] =	vst v26  }
0x198: {  	v6 =	vmul.f32 v6, v63;
	v55 =	vmul.f32 v11, v59;
	v23 =	vld [tilespmem:$0x1FF60];
	v0 =	vadd.f32 v0, v33;
	[tilespmem:s31+$0xB0] =	vst v7  }
0x199: {  	v53 =	vld [tilespmem:$0x1FF80];
	v47 =	vsub.f32 v18, v1;
	v12 =	vmul.f32 v19, v44;
	[tilespmem:s31+$0xC0] =	vst v3;
	v3 =	vadd.f32 v4, v51  }
0x19a: {  	v49 =	vmul.f32 v25, v61;
	v25 =	vld [tilespmem:$0x1FF90];
	v19 =	vsub.f32 v30, v1;
	v2 =	vadd.f32 v52, v56;
	[tilespmem:s31+$0x170] =	vst v0  }
0x19b: {  	v50 =	vld [tilespmem:$0x1FFA0];
	v57 =	vmul.f32 v37, v62;
	v28 =	vmul.f32 v5, v22;
	v7 =	vadd.f32 v12, v48;
	[tilespmem:s31+$0xF0] =	vst v3  }
0x19c: {  	v41 =	vsub.f32 v35, v1;
	v12 =	vld [tilespmem:$0x1FFC0];
	v24 =	vmul.f32 v5, v19;
	v6 =	vadd.f32 v6, v54;
	[tilespmem:s31+$0x120] =	vst v2  }
0x19d: {  	v30 =	vld [tilespmem:$0x1FFE0];
	v40 =	vmul.f32 v5, v32;
	v3 =	vadd.f32 v55, v20;
	v37 =	vmul.f32 v28, v63;
	[tilespmem:s31+$0xD0] =	vst v7  }
0x19e: {  	v44 =	vsub.f32 v36, v1;
	v54 =	vld [tilespmem:$0x1FF50];
	v7 =	vadd.f32 v49, v53;
	v31 =	vmul.f32 v24, v61;
	[tilespmem:s31+$0x110] =	vst v6  }
0x19f: {  	v46 =	vmul.f32 v5, v41;
	v45 =	vmul.f32 v40, v58;
	v55 =	vld [tilespmem:$0x1FF60];
	[tilespmem:s31+$0x130] =	vst v3;
	v3 =	vadd.f32 v37, v25  }
0x1a0: {  	v58 =	vld [tilespmem:$0x1FF70];
	[tilespmem:s31+$0x100] =	vst v7;
	v7 =	vmul.f32 v38, v23;
	v38 =	vsub.f32 v34, v1;
	v39 =	vadd.f32 v31, v29  }
0x1a1: {  	v51 =	vmul.f32 v46, v62;
	v49 =	vmul.f32 v5, v44;
	v53 =	vld [tilespmem:$0x1FFB0];
	v4 =	vadd.f32 v57, v12;
	[tilespmem:s31+$0x190] =	vst v3  }
0x1a2: {  	v61 =	vld [tilespmem:$0x1FFE0];
	v1 =	vsub.f32 v17, v1;
	v2 =	vadd.f32 v7, v30;
	v42 =	vmul.f32 v5, v38;
	[tilespmem:s31+$0x180] =	vst v39  }
0x1a3: {  	v52 =	vmul.f32 v5, v47;
	v63 =	vld [tilespmem:$0x1FFF0];
	v56 =	vadd.f32 v51, v12;
	v3 =	vmul.f32 v49, v54;
	[tilespmem:s31+$0x140] =	vst v4  }
0x1a4: {  	s30 =	sadd.s32 $0x8, s30;
	v1 =	vmul.f32 v5, v1;
	[tilespmem:s31+$0x160] =	vst v2;
	v48 =	vmul.f32 v42, v59;
	v2 =	vadd.f32 v45, v50  }
0x1a5: {  	p1 =	slt.u32 s30, $0x78;
	v57 =	vmul.f32 v52, v55;
	[tilespmem:s31+$0x1C0] =	vst v56;
	v59 =	vadd.f32 v3, v16  }
.Ltmp2:
0x1a6: {  	v1 =	vmul.f32 v1, v58;
	v0 =	vadd.f32 v48, v53;
	[tilespmem:s31+$0x1A0] =	vst v2;
	(pc) =	sbr.rel @p1 .LBB2_3-.Ltmp2, $4  }
0x1a7: {  	v62 =	vadd.f32 v57, v61;
	[tilespmem:s31+$0x1D0] =	vst v59  }
0x1a8: {  	[tilespmem:s31+$0x1B0] =	vst v0;
	v0 =	vadd.f32 v1, v63  }
0x1a9: {  	[tilespmem:s31+$0x1E0] =	vst v62  }
0x1aa: {  	s4 =	sadd.s32 $0x400, s4;
	v60 =	vmov v43;
	[tilespmem:s31+$0x1F0] =	vst v0;
	s31 =	sadd.s32 $0x400, s31  }
0x1ab: {  	s0 =	sadd.s32 s9, s29  }
0x1ac: {  	s0 =	sshll.u32 s0, $0xB  }
0x1ad: {  	p1 =	seq.s32 s28, $0x18;
	s0 =	sadd.s32 s6, s0  }
0x1ae: {  	[hbm4b:s0+s7] =	stream.linear.scatter [tilespmem:s18], [sflag:$0x3], $0x4000, $0x38;
	[tilespmem:$0x18100] =	vst v63  }
0x1af: {  	s0 =	sshll.u32 @!p1 s28, $0x8  }
0x1b0: {  	s0 =	sand.u32 @!p1 $0x3FFFFF00, s0  }
0x1b1: {  	s2 =	simm.s32 @!p1 $0x80;
	s3 =	simm.s32 @!p1 $0x8100;
	s0 =	sadd.s32 @!p1 $0x100, s0  }
0x1b2: {  	[tilespmem:s3], [sflag:$0x1] =	stream.indirect.gather @!p1 [hbm4b:s1+s2], $0x80, s0, s2, $0xb8;
	[tilespmem:$0x18100] =	vst v63  }
0x1b3: {  	_ =	swait.ge [sflag:s19], $0x4000  }
0x1b4: {  	[sflag:s19] =	ssyncset.done $0x0  }
0x1b5: {  	s0 =	simm.s32 @!p0 $0x4;
	[sflag:s19] =	ssyncadd.s32 $0xFFFFC000  }
0x1b6: {  	_ =	swait.ge @!p0 [sflag:s0], $0x4000  }
0x1b7: {  	s29 =	sor.u32 $0x1, s29;
	s30 =	simm.s32 $0xFFFFFFF8;
	[sflag:s0] =	ssyncset.done @!p0 $0x0  }
0x1b8: {  	s31 =	simm.s32 $0x14300;
	s4 =	simm.s32 $0xC300;
	[sflag:s0] =	ssyncadd.s32 @!p0 $0xFFFFC000  }
.LBB2_5:
0x1b9: {  	v0 =	vld [tilespmem:s4+$0xFFFFFE00]  }
0x1ba: {  	v2 =	vld [tilespmem:s4+$0xFFFFFE10]  }
0x1bb: {  	v5 =	vld [tilespmem:s4+$0xFFFFFE20]  }
0x1bc: {  	v7 =	vld [tilespmem:s4+$0xFFFFFE30]  }
0x1bd: {  	v9 =	vld [tilespmem:s4+$0xFFFFFE40]  }
0x1be: {  	v11 =	vld [tilespmem:s4+$0xFFFFFE50]  }
0x1bf: {  	s0 =	rddreg [dreg:$0x8];
	v15 =	vld [tilespmem:s4+$0xFFFFFE60]  }
0x1c0: {  	v16 =	vld [tilespmem:s4+$0xFFFFFE70];
	s0 =	sadd.s32 s30, s0  }
0x1c1: {  	v17 =	vld [tilespmem:s4+$0xFFFFFE80];
	s2 =	sadd.s32 $0x88, s0  }
0x1c2: {  	v19 =	vld [tilespmem:s4+$0xFFFFFE90];
	s3 =	sshll.u32 s2, $0x9  }
0x1c3: {  	v21 =	vld [tilespmem:s4+$0xFFFFFEA0];
	p0 =	slt.u32 s2, $0xC8;
	s2 =	sadd.s32 $0xFFFE7000, s3  }
0x1c4: {  	v23 =	vld [tilespmem:s4+$0xFFFFFEB0];
	s2 =	smov.u32 @p0 s3  }
0x1c5: {  	v54 =	vld [tilespmem:s4+$0xFFFFFEC0];
	s2 =	sshra.s32 s2, $0x2  }
0x1c6: {  	v1 =	vld [tilespmem:s2+$0x1C00]  }
0x1c7: {  	v3 =	vld [tilespmem:s2+$0x1C10]  }
0x1c8: {  	v6 =	vld [tilespmem:s2+$0x1C20]  }
0x1c9: {  	v8 =	vld [tilespmem:s2+$0x1C30]  }
0x1ca: {  	v10 =	vld [tilespmem:s2+$0x1C40]  }
0x1cb: {  	v12 =	vld [tilespmem:s2+$0x1C50]  }
0x1cc: {  	s3 =	sadd.s32 $0x89, s0;
	v13 =	vld [tilespmem:s2+$0x1C60]  }
0x1cd: {  	v14 =	vld [tilespmem:s2+$0x1C70];
	s2 =	sshll.u32 s3, $0x9  }
0x1ce: {  	v42 =	vld [tilespmem:s4+$0xFFFFFEE0];
	p0 =	slt.u32 s3, $0xC8;
	s3 =	sadd.s32 $0xFFFE7000, s2  }
0x1cf: {  	v29 =	vld [tilespmem:s4+$0xFFFFFEF0];
	s3 =	smov.u32 @p0 s2  }
0x1d0: {  	v31 =	vld [tilespmem:s4+$0xFFFFFF00];
	s2 =	sshra.s32 s3, $0x2  }
0x1d1: {  	v18 =	vld [tilespmem:s2+$0x1C00]  }
0x1d2: {  	v20 =	vld [tilespmem:s2+$0x1C10]  }
0x1d3: {  	v22 =	vld [tilespmem:s2+$0x1C20]  }
0x1d4: {  	v24 =	vld [tilespmem:s2+$0x1C30]  }
0x1d5: {  	v55 =	vld [tilespmem:s2+$0x1C40];
	v4 =	vadd.f32 v1, v0;
	v3 =	vadd.f32 v3, v2  }
0x1d6: {  	v26 =	vadd.f32 v6, v5;
	v27 =	vadd.f32 v8, v7;
	v8 =	vld [tilespmem:s4+$0xFFFFFED0]  }
0x1d7: {  	v28 =	vadd.f32 v10, v9;
	v9 =	vld [tilespmem:s2+$0x1C50];
	v1 =	vadd.f32 v12, v11  }
0x1d8: {  	s3 =	sadd.s32 $0x8A, s0;
	v10 =	vld [tilespmem:s2+$0x1C60];
	v0 =	vmul.f32 v4, v4;
	v53 =	vmul.f32 v3, v3;
	v2 =	vadd.f32 v3, v4  }
0x1d9: {  	v11 =	vld [tilespmem:s2+$0x1C70];
	s2 =	sshll.u32 s3, $0x9;
	v25 =	vadd.f32 v13, v15;
	v32 =	vadd.f32 v14, v16  }
0x1da: {  	v59 =	vld [tilespmem:s4+$0xFFFFFF10];
	p0 =	slt.u32 s3, $0xC8;
	s3 =	sadd.s32 $0xFFFE7000, s2;
	v0 =	vadd.f32 v53, v0;
	v2 =	vadd.f32 v26, v2  }
0x1db: {  	v63 =	vld [tilespmem:s4+$0xFFFFFF20];
	s3 =	smov.u32 @p0 s2;
	v34 =	vadd.f32 v18, v17;
	v36 =	vadd.f32 v20, v19  }
0x1dc: {  	v48 =	vld [tilespmem:s4+$0xFFFFFF30];
	v39 =	vmul.f32 v26, v26;
	s2 =	sshra.s32 s3, $0x2;
	v37 =	vadd.f32 v22, v21;
	v33 =	vadd.f32 v24, v23  }
0x1dd: {  	v57 =	vld [tilespmem:s2+$0x1C00];
	v45 =	vadd.f32 v55, v54;
	v47 =	vadd.f32 v9, v8  }
0x1de: {  	v35 =	vld [tilespmem:s4+$0xFFFFFF40];
	v40 =	vmul.f32 v27, v27;
	v46 =	vadd.f32 v10, v42;
	v0 =	vadd.f32 v39, v0  }
0x1df: {  	v50 =	vld [tilespmem:s2+$0x1C30];
	v2 =	vadd.f32 v27, v2;
	v20 =	vadd.f32 v36, v34  }
0x1e0: {  	v38 =	vld [tilespmem:s4+$0xFFFFFF50];
	v41 =	vmul.f32 v28, v28;
	v44 =	vadd.f32 v11, v29;
	v0 =	vadd.f32 v40, v0  }
0x1e1: {  	v56 =	vmul.f32 v1, v1;
	v61 =	vld [tilespmem:s2+$0x1C10];
	v30 =	vadd.f32 v28, v2;
	v20 =	vadd.f32 v37, v20  }
0x1e2: {  	v62 =	vmul.f32 v25, v25;
	v55 =	vld [tilespmem:s2+$0x1C40];
	v57 =	vadd.f32 v57, v31;
	v0 =	vadd.f32 v41, v0  }
0x1e3: {  	v51 =	vmul.f32 v32, v32;
	v58 =	vadd.f32 v1, v30;
	v30 =	vld [tilespmem:s2+$0x1C20];
	v53 =	vadd.f32 v33, v20  }
0x1e4: {  	v2 =	vmul.f32 v36, v36;
	v23 =	vadd.f32 v50, v48;
	v41 =	vld [tilespmem:s2+$0x1C50];
	v6 =	vadd.f32 v56, v0  }
0x1e5: {  	s3 =	sadd.s32 $0x8B, s0;
	v12 =	vld [tilespmem:s2+$0x1C70];
	v14 =	vadd.f32 v25, v58;
	v0 =	vmul.f32 v34, v34;
	v39 =	vadd.f32 v45, v53  }
0x1e6: {  	v42 =	vld [tilespmem:s2+$0x1C60];
	v49 =	vmul.f32 v37, v37;
	s2 =	sshll.u32 s3, $0x9;
	v58 =	vadd.f32 v61, v59;
	v17 =	vadd.f32 v62, v6  }
0x1e7: {  	p0 =	slt.u32 s3, $0xC8;
	v18 =	vld [tilespmem:s4+$0xFFFFFF80];
	v54 =	vmul.f32 v33, v33;
	s3 =	sadd.s32 $0xFFFE7000, s2;
	v19 =	vadd.f32 v2, v0;
	v6 =	vadd.f32 v32, v14  }
0x1e8: {  	v59 =	vld [tilespmem:s4+$0xFFFFFF60];
	s3 =	smov.u32 @p0 s2;
	v9 =	vadd.f32 v47, v39;
	v16 =	vmul.f32 v58, v58;
	v22 =	vadd.f32 v30, v63  }
0x1e9: {  	s2 =	sshra.s32 s3, $0x2;
	v62 =	vld [tilespmem:s4+$0xFFFFFF70];
	v30 =	vmul.f32 v57, v57;
	v63 =	vadd.f32 v58, v57;
	v39 =	vadd.f32 v41, v38  }
0x1ea: {  	v40 =	vmul.f32 v45, v45;
	v31 =	vld [tilespmem:s2+$0x1C00];
	v52 =	vadd.f32 v49, v19;
	v5 =	vadd.f32 v51, v17  }
0x1eb: {  	v50 =	vld [tilespmem:s2+$0x1C10];
	v9 =	vadd.f32 v46, v9;
	v15 =	vadd.f32 v16, v30;
	v29 =	vmul.f32 v22, v22  }
0x1ec: {  	v48 =	vmul.f32 v44, v44;
	v49 =	vadd.f32 v55, v35;
	v24 =	vmovc v22;
	v30 =	vld [tilespmem:s4+$0xFFFFFF90];
	v7 =	vadd.f32 v54, v52  }
0x1ed: {  	[tilespmem:$0x1FB10] =	vst v57;
	v56 =	vmul.f32 v47, v47;
	v53 =	vld [tilespmem:s4+$0xFFFFFFA0];
	v20 =	vadd.f32 v24, v63;
	v15 =	vadd.f32 v29, v15  }
0x1ee: {  	v61 =	vmul.f32 v46, v46;
	v57 =	vld [tilespmem:s4+$0xFFFFFFB0];
	v51 =	vmovc v23;
	v35 =	vadd.f32 v12, v62;
	v7 =	vadd.f32 v40, v7  }
0x1ef: {  	[tilespmem:$0x1FB20] =	vst v58;
	v58 =	vld [tilespmem:s2+$0x1C30];
	v52 =	vmul.f32 v23, v23;
	v31 =	vadd.f32 v31, v18;
	v55 =	vadd.f32 v51, v20  }
0x1f0: {  	v54 =	vld [tilespmem:s2+$0x1C20];
	v63 =	vperm.xlane v5, v60;
	v40 =	vadd.f32 v42, v59;
	v7 =	vadd.f32 v56, v7  }
0x1f1: {  	[tilespmem:$0x1FB40] =	vst v23;
	v15 =	vadd.f32 v52, v15;
	v56 =	vmul.f32 v49, v49;
	v38 =	vadd.f32 v50, v30  }
0x1f2: {  	v41 =	vld [tilespmem:s2+$0x1C40];
	(xrf2) =	vadd.scan.msk.f32 $0xffff, v6;
	v59 =	vperm.xlane v6, v60;
	v11 =	vadd.f32 v61, v7;
	v7 =	vadd.f32 v44, v9  }
0x1f3: {  	[tilespmem:$0x1FB30] =	vst v22;
	v62 =	vld [tilespmem:s4+$0xFFFFFFC0];
	v42 =	vmul.f32 v39, v39;
	v9 =	vadd.f32 v49, v55;
	v61 =	vadd.f32 v56, v15  }
0x1f4: {  	v51 =	vmul.f32 v31, v31;
	(xrf2) =	vadd.scan.msk.f32 $0xffff, v59;
	v50 =	vld [tilespmem:s2+$0x1C50];
	v52 =	vadd.f32 v38, v31;
	v55 =	vadd.f32 v58, v57  }
0x1f5: {  	[tilespmem:$0x1FB50] =	vst v49;
	v49 =	vld [tilespmem:s4+$0xFFFFFFD0];
	v11 =	vadd.f32 v48, v11;
	v48 =	vadd.f32 v54, v53;
	v53 =	vmul.f32 v38, v38  }
0x1f6: {  	v59 =	vmul.f32 v40, v40;
	(xrf2) =	vadd.scan.msk.f32 $0xffff, v5;
	v56 =	vld [tilespmem:s4+$0xFFFFFFE0];
	v9 =	vadd.f32 v39, v9;
	v13 =	vadd.f32 v42, v61  }
0x1f7: {  	v57 =	vld [tilespmem:s2+$0x1C60];
	(xrf2) =	vadd.scan.msk.f32 $0xffff, v63;
	v22 =	vadd.f32 v53, v51;
	v23 =	vadd.f32 v48, v52;
	v58 =	vmul.f32 v48, v48  }
0x1f8: {  	[tilespmem:$0x1FB70] =	vst v38;
	v63 =	vld [tilespmem:s2+$0x1C70];
	v54 =	vperm.xlane v7, v60;
	v61 =	vadd.f32 v41, v62;
	v9 =	vadd.f32 v40, v9  }
0x1f9: {  	v62 =	vld [tilespmem:s4+$0xFFFFFFF0];
	[tilespmem:$0x1FB90] =	vst v55;
	v38 =	vmul.f32 v55, v55;
	v24 =	vadd.f32 v58, v22;
	v23 =	vadd.f32 v55, v23  }
0x1fa: {  	(xrf2) =	vadd.scan.msk.f32 $0xffff, v7;
	v41 =	vmul.f32 v35, v35;
	v13 =	vadd.f32 v59, v13;
	v21 =	vadd.f32 v50, v49  }
0x1fb: {  	[tilespmem:$0x1FB80] =	vst v48;
	v30 =	vmul.f32 v61, v61;
	v22 =	vadd.f32 v38, v24;
	v24 =	vadd.f32 v61, v23  }
0x1fc: {  	v42 =	vperm.xlane v11, v60;
	(xrf2) =	vadd.scan.msk.f32 $0xffff, v54;
	v48 =	vadd.f32 v57, v56;
	v38 =	vadd.f32 v35, v9  }
0x1fd: {  	v51, _, _ =	vpop (xrf2);
	(xrf2) =	vadd.scan.msk.f32 $0xffff, v11;
	v50 =	vmul.f32 v21, v21;
	v8 =	vadd.f32 v30, v22;
	v49 =	vadd.f32 v21, v24  }
0x1fe: {  	s2 =	sadd.s32 $0x8C, s0;
	v0 =	vadd.f32 v41, v13;
	v53 =	vadd.f32 v63, v62;
	v55 =	vmul.f32 v48, v48;
	v54, _, _ =	vpop (xrf2);
	(xrf2) =	vadd.scan.msk.f32 $0xffff, v42  }
0x1ff: {  	s3 =	sshll.u32 s2, $0x9;
	v52 =	vperm.xlane v38, v60;
	v8 =	vadd.f32 v50, v8;
	v10 =	vadd.f32 v48, v49  }
0x200: {  	p0 =	slt.u32 s2, $0xC8;
	s2 =	sadd.s32 $0xFFFE7000, s3;
	[tilespmem:$0x1FBA0] =	vst v61;
	v56 =	vperm.xlane v0, v60;
	v14 =	vperm.xlane v54, v60;
	v57, _, _ =	vpop (xrf2);
	(xrf2) =	vadd.scan.msk.f32 $0xffff, v38  }
0x201: {  	s2 =	smov.u32 @p0 s3;
	v58 =	vmul.f32 v53, v53;
	v61, _, _ =	vpop (xrf2);
	(xrf2) =	vadd.scan.msk.f32 $0xffff, v52;
	v8 =	vadd.f32 v55, v8;
	v12 =	vadd.f32 v53, v10  }
0x202: {  	[tilespmem:$0x1FB60] =	vst v31;
	v31 =	vld [tilespmem:s4+$0x10];
	s2 =	sshra.s32 s2, $0x2;
	v59 =	vadd.f32 v51, v14;
	v14 =	vperm.xlane v61, v60;
	(xrf2) =	vadd.scan.msk.f32 $0xffff, v0  }
0x203: {  	v16 =	vld [tilespmem:s2+$0x1C00];
	(xrf2) =	vadd.scan.msk.f32 $0xffff, v56;
	v15 =	vadd.f32 v58, v8;
	v62 =	vperm.xlane v12, v60  }
0x204: {  	v54 =	vld [tilespmem:s4+$0x30];
	v6 =	vsub.f32 v59, v6;
	v63 =	vadd.f32 v57, v14;
	(xrf2) =	vadd.scan.msk.f32 $0xffff, v12  }
0x205: {  	v51 =	vld [tilespmem:s2+$0x1C20];
	v13, _, _ =	vpop (xrf2);
	(xrf2) =	vadd.scan.msk.f32 $0xffff, v62;
	v2 =	vperm.xlane v15, v60  }
0x206: {  	[tilespmem:$0x1FBC0] =	vst v48;
	v48 =	vld [tilespmem:s2+$0x1C10];
	v24, _, _ =	vpop (xrf2);
	v29 =	vmul.f32 $7.812500000e-03, v6;
	v5 =	vsub.f32 v63, v5;
	(xrf2) =	vadd.scan.msk.f32 $0xffff, v15  }
0x207: {  	v49 =	vld [tilespmem:s4+$0x20];
	v42, _, _ =	vpop (xrf2);
	v63 =	vperm.xlane v24, v60;
	(xrf2) =	vadd.scan.msk.f32 $0xffff, v2  }
0x208: {  	v14 =	vld [tilespmem:s4+$0x0];
	v5 =	vmul.f32 $7.812500000e-03, v5;
	v30 =	vsub.f32 v4, v29;
	v22 =	vsub.f32 v3, v29;
	v61, _, _ =	vpop (xrf2)  }
0x209: {  	v57 =	vld [tilespmem:s2+$0x1C30];
	v24 =	vsub.f32 v26, v29;
	v62 =	vmul.f32 v29, v29;
	v8 =	vperm.xlane v61, v60  }
0x20a: {  	[tilespmem:$0x1FBB0] =	vst v21;
	v59 =	vld [tilespmem:s2+$0x1C40];
	v21 =	vsub.f32 v27, v29;
	v4 =	vadd.f32 v13, v63;
	v50, _, _ =	vpop (xrf2)  }
0x20b: {  	v58 =	vld [tilespmem:s4+$0x40];
	v5 =	vsub.f32 v5, v62;
	v3 =	vadd.f32 v42, v8;
	v52, _, _ =	vpop (xrf2)  }
0x20c: {  	[tilespmem:$0x1FBD0] =	vst v53;
	v20 =	vsub.f32 v28, v29;
	v61 =	vld [tilespmem:s4+$0x50];
	v4 =	vsub.f32 v4, v7;
	v53, _, _ =	vpop (xrf2);
	v13 =	vperm.xlane v52, v60  }
0x20d: {  	v56 =	vadd.f32 $9.999999740e-06, v5;
	v52 =	vld [tilespmem:s2+$0x1C50];
	v3 =	vsub.f32 v3, v11;
	v55, _, _ =	vpop (xrf2)  }
0x20e: {  	s3 =	sadd.s32 $0x8D, s0;
	v28 =	vld [tilespmem:s2+$0x1C70];
	v54 =	vadd.f32 v57, v54;
	v41 =	vadd.f32 v50, v13;
	v55 =	vperm.xlane v55, v60;
	v9, _, _ =	vpop (xrf2)  }
0x20f: {  	v62 =	vld [tilespmem:s2+$0x1C60];
	v6 =	vmul.f32 $7.812500000e-03, v4;
	s2 =	sshll.u32 s3, $0x9;
	v10 =	vshra.s32 v56, $0x1;
	v42 =	vmul.f32 $7.812500000e-03, v3;
	v17, _, _ =	vpop (xrf2)  }
0x210: {  	p0 =	slt.u32 s3, $0xC8;
	s3 =	sadd.s32 $0xFFFE7000, s2;
	v7 =	vsub.f32 v41, v38;
	v27 =	vadd.f32 v53, v55;
	v38 =	vld [tilespmem:s4+$0x60];
	v19 =	vperm.xlane v17, v60;
	v23, _, _ =	vpop (xrf2)  }
0x211: {  	v26 =	vld [tilespmem:s4+$0x70];
	s3 =	smov.u32 @p0 s2;
	v41 =	vmul.f32 v6, v6;
	v53 =	vadd.f32 v48, v31;
	v31 =	vmul.f32 $5.000000000e-01, v56;
	v13, _, _ =	vpop (xrf2)  }
0x212: {  	v2 =	vld [tilespmem:s4+$0x90];
	s2 =	sshra.s32 s3, $0x2;
	v57 =	vadd.f32 v52, v61;
	v17 =	vadd.f32 v9, v19;
	v18 =	vperm.xlane v13, v60  }
0x213: {  	v63 =	vld [tilespmem:s2+$0x1C00];
	v56 =	vadd.f32 v51, v49;
	v48 =	vadd.f32 v59, v58;
	v4 =	vmul.f32 v53, v53  }
0x214: {  	v3 =	vmul.f32 v57, v57;
	v9 =	vld [tilespmem:s2+$0x1C10];
	v11 =	vsub.f32 v17, v12;
	v19 =	vadd.f32 v23, v18  }
0x215: {  	v13 =	vmul.f32 $7.812500000e-03, v7;
	v59 =	vadd.f32 v62, v38;
	v23 =	vsub.f32 v27, v0;
	v27 =	vld [tilespmem:s4+$0x80]  }
0x216: {  	v18 =	vsub.f32 v32, v29;
	v32 =	vld [tilespmem:s4+$0xA0];
	v60 =	vmul.f32 $7.812500000e-03, v11;
	v55 =	vsub.f32 v19, v15  }
0x217: {  	v12 =	vsub.f32 v1, v29;
	v1 =	vmul.f32 $7.812500000e-03, v23;
	v23 =	vmul.f32 v13, v13;
	v11 =	vld [tilespmem:s2+$0x1C20]  }
0x218: {  	v5 =	vmul.f32 $7.812500000e-03, v55;
	v8 =	vmul.f32 v60, v60;
	v55 =	vadd.f32 v16, v14;
	v14 =	vld [tilespmem:s4+$0xB0]  }
0x219: {  	v17 =	vsub.f32 v25, v29;
	v29 =	vsub.f32 v42, v41;
	v25 =	vsub.s32 $0x5F3759DF, v10;
	v16 =	vld [tilespmem:s2+$0x1C30]  }
0x21a: {  	v10 =	vmul.f32 v56, v56;
	v15 =	vsub.f32 v1, v23;
	v23 =	vsub.f32 v5, v8;
	v5 =	vld [tilespmem:s4+$0xC0]  }
0x21b: {  	v7 =	vmul.f32 v25, v31;
	v29 =	vadd.f32 $9.999999740e-06, v29;
	v19 =	vmul.f32 v55, v55;
	v8 =	vld [tilespmem:s2+$0x1C40]  }
0x21c: {  	v38 =	vld [tilespmem:s2+$0x1C60];
	v41 =	vmul.f32 v54, v54;
	v50 =	vadd.f32 v9, v2;
	v63 =	vadd.f32 v63, v27  }
0x21d: {  	v42 =	vld [tilespmem:s4+$0xD0];
	v49 =	vmul.f32 v25, v7;
	v0 =	vshra.s32 v29, $0x1;
	v9 =	vadd.f32 v4, v19  }
0x21e: {  	v51 =	vadd.f32 v11, v32;
	v32 =	vld [tilespmem:s2+$0x1C50];
	v11 =	vmul.f32 v63, v63;
	v19 =	vmul.f32 v50, v50  }
0x21f: {  	v27 =	vsub.s32 $0x5F3759DF, v0;
	v52 =	vadd.f32 v16, v14;
	v14 =	vld [tilespmem:s2+$0x1C70];
	v2 =	vadd.f32 v10, v9  }
0x220: {  	s3 =	sadd.s32 $0x8E, s0;
	v62 =	vmul.f32 v51, v51;
	v1 =	vadd.f32 v19, v11;
	v58 =	vadd.f32 v8, v5;
	v5 =	vld [tilespmem:s4+$0xE0]  }
0x221: {  	v4 =	vmul.f32 v48, v48;
	s2 =	sshll.u32 s3, $0x9;
	v11 =	vsub.f32 $1.500000000e+00, v49;
	v9 =	vmul.f32 $5.000000000e-01, v29;
	v29 =	vld [tilespmem:s4+$0x120]  }
0x222: {  	p0 =	slt.u32 s3, $0xC8;
	s3 =	sadd.s32 $0xFFFE7000, s2;
	v8 =	vld [tilespmem:s4+$0xF0];
	v10 =	vmul.f32 v52, v52;
	v2 =	vadd.f32 v41, v2;
	v16 =	vadd.f32 v62, v1  }
0x223: {  	s3 =	smov.u32 @p0 s2;
	v41 =	vadd.f32 v28, v26;
	v26 =	vld [tilespmem:s4+$0x100];
	v61 =	vadd.f32 v32, v42;
	v25 =	vmul.f32 v25, v11  }
0x224: {  	s2 =	sshra.s32 s3, $0x2;
	v32 =	vld [tilespmem:s4+$0x110];
	v19 =	vmul.f32 v58, v58;
	v2 =	vadd.f32 v4, v2;
	v16 =	vadd.f32 v10, v16  }
0x225: {  	v49 =	vld [tilespmem:s2+$0x1C00];
	v10 =	vmul.f32 v25, v31;
	v42 =	vmul.f32 v61, v61;
	v62 =	vadd.f32 v38, v5  }
0x226: {  	v7 =	vld [tilespmem:s2+$0x1C20];
	v1 =	vadd.f32 v19, v16;
	v2 =	vadd.f32 v3, v2;
	v19 =	vmul.f32 v59, v59  }
0x227: {  	v11 =	vmul.f32 v27, v9;
	v16 =	vld [tilespmem:s2+$0x1C10];
	v38 =	vmul.f32 v10, v25  }
0x228: {  	v4 =	vld [tilespmem:s2+$0x1C30];
	v1 =	vadd.f32 v42, v1;
	v42 =	vmul.f32 v62, v62;
	v2 =	vadd.f32 v19, v2  }
0x229: {  	v5 =	vld [tilespmem:s4+$0x130];
	v19 =	vadd.f32 v14, v8;
	v8 =	vmul.f32 v27, v11;
	v14 =	vsub.f32 $1.500000000e+00, v38  }
0x22a: {  	v28 =	vld [tilespmem:s4+$0x140];
	v26 =	vadd.f32 v49, v26;
	v1 =	vadd.f32 v42, v1  }
0x22b: {  	v38 =	vld [tilespmem:s2+$0x1C40];
	v8 =	vsub.f32 $1.500000000e+00, v8;
	v42 =	vmul.f32 v41, v41;
	v0 =	vmul.f32 v19, v19  }
0x22c: {  	v3 =	vld [tilespmem:s4+$0x150];
	v29 =	vadd.f32 v7, v29;
	v14 =	vmul.f32 v14, v25;
	v49 =	vadd.f32 v16, v32  }
0x22d: {  	v32 =	vld [tilespmem:s2+$0x1C50];
	v8 =	vmul.f32 v27, v8;
	v16 =	vadd.f32 v42, v2;
	v10 =	vadd.f32 v0, v1  }
0x22e: {  	v1 =	vmul.f32 v26, v26;
	v27 =	vadd.f32 v4, v5;
	v2 =	vadd.f32 v53, v55  }
0x22f: {  	v42 =	vmul.f32 v49, v49;
	v25 =	vmov v49;
	[tilespmem:$0x1FCD0] =	vst v49;
	v49 =	vmul.f32 v14, v31  }
0x230: {  	v11 =	vadd.f32 v38, v28;
	v38 =	vmul.f32 v29, v29;
	v2 =	vadd.f32 v56, v2  }
0x231: {  	v1 =	vadd.f32 v42, v1;
	v42 =	vmul.f32 v49, v14;
	v49 =	vmul.f32 v8, v9  }
0x232: {  	v28 =	vmul.f32 v27, v27;
	v31 =	vadd.f32 v32, v3;
	v2 =	vadd.f32 v54, v2  }
0x233: {  	v32 =	vld [tilespmem:s4+$0x170];
	v1 =	vadd.f32 v38, v1;
	v3 =	vsub.f32 $1.500000000e+00, v42;
	v4 =	vmul.f32 v49, v8  }
0x234: {  	v42 =	vadd.f32 v50, v63;
	v49 =	vld [tilespmem:s2+$0x1C70];
	v2 =	vadd.f32 v48, v2  }
0x235: {  	v1 =	vadd.f32 v28, v1;
	v4 =	vsub.f32 $1.500000000e+00, v4;
	v28 =	vmul.f32 v11, v11  }
0x236: {  	v7 =	vld [tilespmem:s4+$0x160];
	v3 =	vmul.f32 v3, v14;
	v42 =	vadd.f32 v51, v42;
	v2 =	vadd.f32 v57, v2  }
0x237: {  	v5 =	vld [tilespmem:s2+$0x1C60];
	v0 =	vadd.f32 v28, v1;
	v28 =	vmul.f32 v31, v31;
	v4 =	vmul.f32 v4, v8  }
0x238: {  	v8 =	vadd.f32 v52, v42;
	v14 =	vmul.f32 v3, v30;
	v17 =	vmul.f32 v3, v17  }
0x239: {  	v42 =	vadd.f32 v49, v32;
	v30 =	vadd.f32 v59, v2;
	v49 =	vmul.f32 v3, v24  }
0x23a: {  	v0 =	vadd.f32 v28, v0;
	v28 =	vmul.f32 v3, v22;
	v32 =	vadd.f32 v58, v8  }
0x23b: {  	[tilespmem:$0x1FBE0] =	vst v14;
	v8 =	vmul.f32 v3, v21;
	v14 =	vadd.f32 $9.999999740e-06, v15;
	v15 =	vmul.f32 v3, v20  }
0x23c: {  	[tilespmem:$0x1FCC0] =	vst v26;
	v38 =	vadd.f32 v5, v7;
	v20 =	vmul.f32 v3, v12;
	v9 =	vmul.f32 v4, v9  }
0x23d: {  	[tilespmem:$0x1FCE0] =	vst v27;
	v3 =	vmul.f32 v3, v18;
	v1 =	vadd.f32 v41, v30;
	v30 =	vperm.xlane v16, v43  }
0x23e: {  	[tilespmem:$0x1FC00] =	vst v49;
	v2 =	vadd.f32 v61, v32;
	v21 =	vshra.s32 v14, $0x1;
	v5 =	vmul.f32 $5.000000000e-01, v14  }
0x23f: {  	[tilespmem:$0x1FBF0] =	vst v28;
	v28 =	vadd.f32 v25, v26;
	v32 =	vmul.f32 v38, v38;
	v25 =	vsub.f32 v34, v6  }
0x240: {  	[tilespmem:$0x1FC30] =	vst v20;
	v9 =	vmul.f32 v9, v4;
	v26 =	vsub.f32 v36, v6;
	v36 =	vadd.f32 $9.999999740e-06, v23  }
0x241: {  	[tilespmem:$0x1FC50] =	vst v3;
	v7 =	vsub.s32 $0x5F3759DF, v21;
	v22 =	vperm.xlane v1, v43;
	v2 =	vadd.f32 v62, v2  }
0x242: {  	(xrf2) =	vadd.scan.msk.f32 $0xffff, v1;
	v24 =	vmul.f32 v7, v5;
	v14 =	vadd.f32 v29, v28;
	v20 =	vsub.f32 $1.500000000e+00, v9  }
0x243: {  	v0 =	vadd.f32 v32, v0;
	v32 =	vsub.f32 v45, v6;
	(xrf2) =	vadd.scan.msk.f32 $0xffff, v22;
	v22 =	vperm.xlane v10, v43  }
0x244: {  	v2 =	vadd.f32 v19, v2;
	(xrf2) =	vadd.scan.msk.f32 $0xffff, v16;
	v49 =	vmul.f32 v7, v24;
	v3 =	vmul.f32 v20, v4  }
0x245: {  	v21 =	vadd.f32 v27, v14;
	v24 =	vmul.f32 v42, v42;
	v27 =	vsub.f32 v37, v6;
	(xrf2) =	vadd.scan.msk.f32 $0xffff, v30  }
0x246: {  	[tilespmem:$0x1FC40] =	vst v17;
	v20 =	vmul.f32 $5.000000000e-01, v36;
	v30 =	vsub.f32 v33, v6;
	v4 =	vmul.f32 v3, v25  }
0x247: {  	[tilespmem:$0x1FC10] =	vst v8;
	v33 =	vsub.f32 v47, v6;
	v17 =	vperm.xlane v2, v43;
	v9 =	vadd.f32 v11, v21  }
0x248: {  	(xrf2) =	vadd.scan.msk.f32 $0xffff, v2;
	v8 =	vsub.f32 $1.500000000e+00, v49;
	[tilespmem:$0x1FC60] =	vst v4;
	v4 =	vmul.f32 v3, v27  }
0x249: {  	v12 =	vadd.f32 v24, v0;
	v0 =	vmul.f32 v3, v26;
	(xrf2) =	vadd.scan.msk.f32 $0xffff, v17;
	v28 =	vadd.f32 v31, v9  }
0x24a: {  	v34 =	vmul.f32 v3, v32;
	(xrf2) =	vadd.scan.msk.f32 $0xffff, v10;
	[tilespmem:$0x1FC80] =	vst v4;
	v4 =	vmul.f32 v3, v33  }
0x24b: {  	v7 =	vmul.f32 v7, v8;
	[tilespmem:$0x1FC70] =	vst v0;
	(xrf2) =	vadd.scan.msk.f32 $0xffff, v22;
	v8 =	vadd.f32 v38, v28  }
0x24c: {  	v0 =	vmul.f32 v3, v30;
	v14, _, _ =	vpop (xrf2);
	[tilespmem:$0x1FCB0] =	vst v4;
	v4 =	vsub.f32 v46, v6;
	v46 =	vshra.s32 v36, $0x1  }
0x24d: {  	s0 =	sadd.s32 $0x8F, s0;
	[tilespmem:$0x1FC20] =	vst v15;
	v15 =	vmul.f32 v7, v5;
	v8 =	vadd.f32 v42, v8;
	v37, _, _ =	vpop (xrf2);
	v18 =	vsub.s32 $0x5F3759DF, v46  }
0x24e: {  	s2 =	sshll.u32 s0, $0x9;
	[tilespmem:$0x1FCA0] =	vst v34;
	v45, _, _ =	vpop (xrf2);
	v47 =	vperm.xlane v37, v43;
	v34 =	vmul.f32 v18, v20  }
0x24f: {  	p0 =	slt.u32 s0, $0xC8;
	s0 =	sadd.s32 $0xFFFE7000, s2;
	v23 =	vld [tilespmem:s4+$0x180];
	[tilespmem:$0x1FC90] =	vst v0;
	v33 =	vperm.xlane v8, v43;
	v37 =	vmul.f32 v15, v7;
	v49, _, _ =	vpop (xrf2)  }
0x250: {  	s0 =	smov.u32 @p0 s2;
	v30 =	vld [tilespmem:$0x1FB10];
	v6 =	vsub.f32 v44, v6;
	(xrf2) =	vadd.scan.msk.f32 $0xffff, v8;
	v9 =	vperm.xlane v49, v43;
	v49 =	vmul.f32 v18, v34  }
0x251: {  	s0 =	sshra.s32 s0, $0x2;
	v32 =	vld [tilespmem:$0x1FB20];
	v0 =	vadd.f32 v14, v47;
	(xrf2) =	vadd.scan.msk.f32 $0xffff, v33;
	v47 =	vperm.xlane v12, v43;
	v34 =	vsub.f32 $1.500000000e+00, v37  }
0x252: {  	v27 =	vld [tilespmem:s0+$0x1C00];
	v22, _, _ =	vpop (xrf2);
	(xrf2) =	vadd.scan.msk.f32 $0xffff, v12;
	v9 =	vadd.f32 v45, v9;
	v45 =	vmul.f32 v3, v4;
	v44 =	vsub.f32 $1.500000000e+00, v49  }
0x253: {  	v24 =	vsub.f32 v40, v13;
	v36, _, _ =	vpop (xrf2);
	(xrf2) =	vadd.scan.msk.f32 $0xffff, v47;
	v47 =	vmul.f32 v3, v6;
	v4 =	vmul.f32 v34, v7  }
0x254: {  	[tilespmem:$0x1FCF0] =	vst v11;
	v0 =	vsub.f32 v0, v1;
	v21, _, _ =	vpop (xrf2);
	v11 =	vperm.xlane v36, v43;
	v6 =	vmul.f32 v18, v44  }
0x255: {  	v33, _, _ =	vpop (xrf2);
	v49 =	vsub.f32 v9, v16;
	v28 =	vmul.f32 v4, v5;
	v5 =	vsub.f32 v30, v13  }
0x256: {  	v9 =	vsub.f32 v32, v13;
	v36 =	vperm.xlane v33, v43;
	v37 =	vadd.f32 v22, v11;
	v33 =	vld [tilespmem:$0x1FB30]  }
0x257: {  	v14 =	vmul.f32 $7.812500000e-03, v0;
	v30 =	vadd.f32 v27, v23;
	v3 =	vmul.f32 v28, v4  }
0x258: {  	v34 =	vmul.f32 v6, v20;
	v46 =	vadd.f32 v21, v36;
	v2 =	vsub.f32 v37, v2;
	v36 =	vld [tilespmem:$0x1FB40]  }
0x259: {  	v7 =	vmul.f32 $7.812500000e-03, v49;
	v37 =	vld [tilespmem:$0x1FB50];
	v21 =	vsub.f32 v39, v13;
	v3 =	vsub.f32 $1.500000000e+00, v3  }
0x25a: {  	v22 =	vmul.f32 v34, v6;
	v44, _, _ =	vpop (xrf2);
	v1 =	vsub.f32 v46, v10;
	v10 =	vmul.f32 $7.812500000e-03, v2  }
0x25b: {  	v46 =	vmul.f32 v14, v14;
	v16 =	vsub.f32 v33, v13;
	v26, _, _ =	vpop (xrf2);
	v3 =	vmul.f32 v3, v4  }
0x25c: {  	v15 =	vld [tilespmem:s0+$0x1C10];
	v40 =	vsub.f32 $1.500000000e+00, v22;
	v1 =	vmul.f32 $7.812500000e-03, v1;
	v2 =	vperm.xlane v26, v43  }
0x25d: {  	v33 =	vld [tilespmem:s4+$0x190];
	v28, _, _ =	vpop (xrf2);
	v49 =	vmul.f32 v10, v10;
	v46 =	vsub.f32 v7, v46;
	v17 =	vsub.f32 v36, v13  }
0x25e: {  	v18 =	vsub.f32 v37, v13;
	v11, _, _ =	vpop (xrf2);
	v25 =	vmul.f32 v3, v5;
	v27 =	vmul.f32 v3, v9  }
0x25f: {  	v23 =	vld [tilespmem:s4+$0x1B0];
	v0 =	vadd.f32 v44, v2;
	v44 =	vperm.xlane v11, v43;
	v1 =	vsub.f32 v1, v49  }
0x260: {  	v7 =	vld [tilespmem:s4+$0x1A0];
	v2 =	vmul.f32 v40, v6;
	v4 =	vadd.f32 $9.999999740e-06, v46;
	v46 =	vmul.f32 v3, v21  }
0x261: {  	v49 =	vld [tilespmem:s0+$0x1C20];
	v37 =	vmul.f32 v3, v18;
	v39 =	vsub.f32 v0, v8;
	v0 =	vadd.f32 v28, v44  }
0x262: {  	v9 =	vld [tilespmem:s0+$0x1C30];
	v32 =	vadd.f32 v15, v33;
	v28 =	vmul.f32 v3, v16;
	v26 =	vmul.f32 v2, v20  }
0x263: {  	v44 =	vmul.f32 v3, v17;
	v11 =	vshra.s32 v4, $0x1;
	v40 =	vmul.f32 $5.000000000e-01, v4  }
0x264: {  	v22 =	vld [tilespmem:s0+$0x1C50];
	v4 =	vmul.f32 v30, v30;
	v17 =	vsub.s32 $0x5F3759DF, v11;
	v36 =	vmul.f32 v26, v2  }
0x265: {  	v21 =	vld [tilespmem:s4+$0x1D0];
	v16 =	vmul.f32 v3, v24;
	v12 =	vsub.f32 v0, v12;
	v0 =	vmul.f32 v17, v40  }
0x266: {  	v8 =	vld [tilespmem:$0x1FB80];
	v5 =	vmul.f32 v32, v32;
	v33 =	vadd.f32 v49, v7;
	v11 =	vsub.f32 $1.500000000e+00, v36  }
0x267: {  	v1 =	vadd.f32 $9.999999740e-06, v1;
	v24 =	vld [tilespmem:$0x1FB60];
	v34 =	vadd.f32 v9, v23;
	v7 =	vmul.f32 v17, v0  }
0x268: {  	v15 =	vadd.f32 v5, v4;
	v49 =	vmul.f32 v33, v33;
	v2 =	vmul.f32 v11, v2;
	v11 =	vld [tilespmem:$0x1FB90]  }
0x269: {  	v13 =	vsub.f32 v35, v13;
	v35 =	vld [tilespmem:s4+$0x1C0];
	v23 =	vmul.f32 v34, v34;
	v5 =	vmul.f32 $5.000000000e-01, v1  }
0x26a: {  	v18 =	vld [tilespmem:s0+$0x1C40];
	v6 =	vsub.f32 $1.500000000e+00, v7;
	v7 =	vadd.f32 v49, v15;
	v49 =	vshra.s32 v1, $0x1  }
0x26b: {  	v36 =	vadd.f32 v22, v21;
	v21 =	vsub.f32 v8, v60;
	v8 =	vld [tilespmem:$0x1FBA0];
	v22 =	vsub.s32 $0x5F3759DF, v49  }
0x26c: {  	v9 =	vadd.f32 v23, v7;
	v7 =	vld [tilespmem:$0x1FB70];
	v15 =	vmul.f32 v22, v5  }
0x26d: {  	v26 =	vmul.f32 v3, v13;
	v13 =	vsub.f32 v24, v60;
	v24 =	vsub.f32 v11, v60;
	v11 =	vld [tilespmem:$0x1FBB0]  }
0x26e: {  	v49 =	vmul.f32 v22, v15;
	v15 =	vld [tilespmem:$0x1FBC0];
	_ =	sdelay $0x1  }
0x26f: {  	v17 =	vmul.f32 v17, v6  }
0x270: {  	v35 =	vadd.f32 v18, v35  }
0x271: {  	v4 =	vld [tilespmem:s0+$0x1C60];
	v6 =	vmul.f32 v17, v40;
	v20 =	vsub.f32 v7, v60;
	v7 =	vsub.f32 v8, v60  }
0x272: {  	v8 =	vsub.f32 v11, v60;
	v11 =	vsub.f32 v15, v60;
	v15 =	vld [tilespmem:$0x1FBD0]  }
0x273: {  	v23 =	vld [tilespmem:s4+$0x1E0];
	v18 =	vmul.f32 v6, v17  }
0x274: {  	v3 =	vld [tilespmem:s0+$0x1C70];
	v1 =	vmul.f32 v35, v35;
	v6 =	vmul.f32 $7.812500000e-03, v39  }
0x275: {  	v39 =	vld [tilespmem:s4+$0x1F0];
	v18 =	vsub.f32 $1.500000000e+00, v18  }
0x276: {  	v12 =	vmul.f32 $7.812500000e-03, v12;
	v9 =	vadd.f32 v1, v9;
	v0 =	vmul.f32 v6, v6  }
0x277: {  	v15 =	vsub.f32 v15, v60;
	v60 =	vmul.f32 v18, v17;
	v17 =	vsub.f32 $1.500000000e+00, v49  }
0x278: {  	v18 =	vadd.f32 v4, v23;
	v23 =	vadd.f32 v32, v30  }
0x279: {  	v49 =	vsub.f32 v12, v0;
	v12 =	vmul.f32 v36, v36;
	v0 =	vmul.f32 v2, v21  }
0x27a: {  	v22 =	vmul.f32 v22, v17;
	v17 =	vadd.f32 v3, v39;
	v3 =	vadd.f32 v33, v23  }
0x27b: {  	v21 =	vmul.f32 v2, v8;
	v1 =	vadd.f32 v12, v9;
	v39 =	vadd.f32 $9.999999740e-06, v49  }
0x27c: {  	v9 =	vmul.f32 v2, v13;
	v13 =	vmul.f32 v2, v24;
	v3 =	vadd.f32 v34, v3  }
0x27d: {  	v23 =	vmul.f32 v2, v7;
	v24 =	vmul.f32 v18, v18;
	v49 =	vshra.s32 v39, $0x1  }
0x27e: {  	v4 =	vmul.f32 $5.000000000e-01, v39;
	v39 =	vmul.f32 v22, v5;
	v3 =	vadd.f32 v35, v3  }
0x27f: {  	v7 =	vmul.f32 v60, v40;
	v1 =	vadd.f32 v24, v1;
	v24 =	vmul.f32 v2, v11  }
0x280: {  	v8 =	vsub.s32 $0x5F3759DF, v49;
	v11 =	vmul.f32 v39, v22;
	v39 =	vadd.f32 v36, v3  }
0x281: {  	v55 =	vsub.f32 v55, v14;
	v7 =	vmul.f32 v7, v60;
	v49 =	vmul.f32 v8, v4  }
0x282: {  	v41 =	vsub.f32 v41, v14;
	v12 =	vmul.f32 v2, v20;
	v39 =	vadd.f32 v18, v39  }
0x283: {  	v7 =	vsub.f32 $1.500000000e+00, v7;
	v20 =	vmul.f32 v8, v49;
	v49 =	vmul.f32 v17, v17  }
0x284: {  	v3 =	vmul.f32 v2, v15;
	v2 =	vsub.f32 $1.500000000e+00, v11;
	v11 =	vadd.f32 v17, v39  }
0x285: {  	v7 =	vmul.f32 v7, v60;
	v15 =	vsub.f32 v53, v14;
	v53 =	vsub.f32 v59, v14  }
0x286: {  	v1 =	vadd.f32 v49, v1;
	v2 =	vmul.f32 v2, v22;
	v40 =	vperm.xlane v11, v43  }
0x287: {  	v49 =	vsub.f32 $1.500000000e+00, v20;
	v22 =	vsub.f32 v56, v14;
	v55 =	vmul.f32 v7, v55;
	(xrf2) =	vadd.scan.msk.f32 $0xffff, v11  }
0x288: {  	v20 =	vsub.f32 v48, v14;
	v56 =	vmul.f32 v7, v53;
	v5 =	vmul.f32 v2, v5;
	(xrf2) =	vadd.scan.msk.f32 $0xffff, v40  }
0x289: {  	v53 =	vmul.f32 v7, v41;
	v41 =	vsub.f32 v61, v10;
	v8 =	vmul.f32 v8, v49  }
0x28a: {  	v39 =	vsub.f32 v54, v14;
	v48 =	vperm.xlane v1, v43;
	v5 =	vmul.f32 v5, v2  }
0x28b: {  	v49 =	vsub.f32 v57, v14;
	v14 =	vmul.f32 v7, v15;
	v54 =	vmul.f32 v7, v22;
	(xrf2) =	vadd.scan.msk.f32 $0xffff, v1  }
0x28c: {  	v57 =	vsub.f32 v63, v10;
	v40 =	vmul.f32 v7, v20;
	v5 =	vsub.f32 $1.500000000e+00, v5;
	(xrf2) =	vadd.scan.msk.f32 $0xffff, v48  }
0x28d: {  	v15 =	vsub.f32 v51, v10;
	v20 =	vmul.f32 v8, v4;
	v48 =	vmul.f32 v7, v39  }
0x28e: {  	v39 =	vmul.f32 v7, v49;
	v5 =	vmul.f32 v5, v2;
	v7 =	vsub.f32 v50, v10  }
0x28f: {  	v22 =	vsub.f32 v58, v10;
	v2 =	vsub.f32 v52, v10;
	v58 =	vmul.f32 v20, v8  }
0x290: {  	v49 =	vmul.f32 v5, v57;
	v57 =	vsub.f32 v62, v10;
	v51 =	vmul.f32 v5, v7  }
0x291: {  	v61 =	vld [tilespmem:$0x1FF00];
	v52 =	vmul.f32 v5, v15;
	v50 =	vmul.f32 v5, v2;
	v7 =	vsub.f32 $1.500000000e+00, v58;
	v15, _, _ =	vpop (xrf2)  }
0x292: {  	v10 =	vsub.f32 v19, v10;
	v19 =	vmul.f32 v5, v41;
	v2 =	vmul.f32 v5, v57;
	v57 =	vld [tilespmem:$0x1FBE0];
	v41, _, _ =	vpop (xrf2)  }
0x293: {  	v20 =	vmul.f32 v5, v22;
	v22 =	vperm.xlane v41, v43;
	_ =	sdelay $0x1  }
0x294: {  	v10 =	vmul.f32 v5, v10;
	v5 =	vmul.f32 v7, v8;
	v7, _, _ =	vpop (xrf2);
	v15 =	vadd.f32 v15, v22;
	v22 =	vld [tilespmem:$0x1FF80]  }
0x295: {  	v63 =	vld [tilespmem:$0x1FF10];
	v41, _, _ =	vpop (xrf2)  }
0x296: {  	v8 =	vmul.f32 v57, v61;
	v57 =	vld [tilespmem:$0x1FBF0];
	v41 =	vperm.xlane v41, v43  }
0x297: {  	v58 =	vld [tilespmem:$0x1FF20]  }
0x298: {  	v7 =	vadd.f32 v7, v41;
	v41 =	vld [tilespmem:$0x1FF90]  }
0x299: {  	v8 =	vadd.f32 v8, v22;
	v22 =	vld [tilespmem:$0x1FC00];
	_ =	sdelay $0x1  }
0x29a: {  	v57 =	vmul.f32 v57, v63;
	[tilespmem:s31+$0xFFFFFE00] =	vst v8;
	v8 =	vsub.f32 v15, v11;
	v15 =	vld [tilespmem:$0x1FFA0]  }
0x29b: {  	v59 =	vld [tilespmem:$0x1FF30]  }
0x29c: {  	v62 =	vld [tilespmem:$0x1FF40];
	v41 =	vadd.f32 v57, v41  }
0x29d: {  	v57 =	vld [tilespmem:$0x1FC10];
	v22 =	vmul.f32 v22, v58  }
0x29e: {  	[tilespmem:s31+$0xFFFFFE10] =	vst v41;
	v41 =	vld [tilespmem:$0x1FFB0]  }
0x29f: {  	v11 =	vadd.f32 v22, v15;
	v22 =	vld [tilespmem:$0x1FC20];
	_ =	sdelay $0x2  }
0x2a0: {  	v57 =	vmul.f32 v57, v59  }
0x2a1: {  	v7 =	vsub.f32 v7, v1;
	v1 =	vld [tilespmem:$0x1FF50]  }
0x2a2: {  	v15 =	vmul.f32 v22, v62;
	v22 =	vadd.f32 v57, v41;
	v57 =	vld [tilespmem:$0x1FC30];
	_ =	sdelay $0x2  }
0x2a3: {  	[tilespmem:s31+$0xFFFFFE20] =	vst v11;
	v11 =	vld [tilespmem:$0x1FFC0]  }
0x2a4: {  	[tilespmem:s31+$0xFFFFFE30] =	vst v22;
	v22 =	vld [tilespmem:$0x1FFD0]  }
0x2a5: {  	v41 =	vmul.f32 v57, v1;
	v1 =	vld [tilespmem:$0x1FF60]  }
0x2a6: {  	v57 =	vld [tilespmem:$0x1FC40];
	_ =	sdelay $0x3  }
0x2a7: {  	v11 =	vadd.f32 v15, v11  }
0x2a8: {  	v15 =	vmul.f32 v57, v1;
	v1 =	vmul.f32 $7.812500000e-03, v8;
	v8 =	vadd.f32 v41, v22;
	v22 =	vld [tilespmem:$0x1FF70]  }
0x2a9: {  	v57 =	vld [tilespmem:$0x1FC50];
	_ =	sdelay $0x4  }
0x2aa: {  	v22 =	vmul.f32 v57, v22;
	v57 =	vld [tilespmem:$0x1FC60];
	_ =	sdelay $0x4  }
0x2ab: {  	v41 =	vmul.f32 v57, v61;
	v57 =	vld [tilespmem:$0x1FFE0];
	_ =	sdelay $0x4  }
0x2ac: {  	v7 =	vmul.f32 $7.812500000e-03, v7;
	[tilespmem:s31+$0xFFFFFE40] =	vst v11;
	v11 =	vadd.f32 v15, v57;
	v15 =	vmul.f32 v1, v1;
	_ =	sdelay $0x1  }
0x2ad: {  	v7 =	vsub.f32 v7, v15;
	v15 =	vld [tilespmem:$0x1FF80];
	_ =	sdelay $0x2  }
0x2ae: {  	v57 =	vld [tilespmem:$0x1FFF0];
	_ =	sdelay $0x1  }
0x2af: {  	[tilespmem:s31+$0xFFFFFE60] =	vst v11;
	v11 =	vadd.f32 v41, v15;
	v41 =	vld [tilespmem:$0x1FC90];
	_ =	sdelay $0x2  }
0x2b0: {  	[tilespmem:s31+$0xFFFFFE50] =	vst v8;
	v8 =	vadd.f32 v22, v57;
	v57 =	vld [tilespmem:$0x1FC70];
	_ =	sdelay $0x1  }
0x2b1: {  	v15 =	vmul.f32 v41, v59;
	v41 =	vld [tilespmem:$0x1FF90];
	_ =	sdelay $0x2  }
0x2b2: {  	v22 =	vmul.f32 v57, v63;
	v57 =	vld [tilespmem:$0x1FC80];
	_ =	sdelay $0x1  }
0x2b3: {  	[tilespmem:s31+$0xFFFFFE70] =	vst v8;
	v8 =	vadd.f32 v22, v41;
	v41 =	vld [tilespmem:$0x1FFA0];
	_ =	sdelay $0x2  }
0x2b4: {  	v57 =	vmul.f32 v57, v58;
	_ =	sdelay $0x1  }
0x2b5: {  	v22 =	vadd.f32 v57, v41;
	v57 =	vld [tilespmem:$0x1FCA0];
	_ =	sdelay $0x4  }
0x2b6: {  	v41 =	vmul.f32 v57, v62;
	v57 =	vld [tilespmem:$0x1FFB0];
	_ =	sdelay $0x4  }
0x2b7: {  	[tilespmem:s31+$0xFFFFFE80] =	vst v11;
	v11 =	vadd.f32 v15, v57;
	v15 =	vld [tilespmem:$0x1FF50]  }
0x2b8: {  	v57 =	vld [tilespmem:$0x1FCB0];
	_ =	sdelay $0x4  }
0x2b9: {  	v15 =	vmul.f32 v57, v15;
	v57 =	vld [tilespmem:$0x1FF60];
	_ =	sdelay $0x4  }
0x2ba: {  	v45 =	vmul.f32 v45, v57;
	v57 =	vld [tilespmem:$0x1FFC0];
	_ =	sdelay $0x4  }
0x2bb: {  	[tilespmem:s31+$0xFFFFFE90] =	vst v8;
	v8 =	vadd.f32 v41, v57;
	v57 =	vld [tilespmem:$0x1FF70];
	_ =	sdelay $0x4  }
0x2bc: {  	v41 =	vmul.f32 v47, v57;
	v57 =	vld [tilespmem:$0x1FFE0]  }
0x2bd: {  	v47 =	vld [tilespmem:$0x1FFD0];
	_ =	sdelay $0x3  }
0x2be: {  	[tilespmem:s31+$0xFFFFFEA0] =	vst v22;
	v22 =	vadd.f32 v45, v57;
	v45 =	vld [tilespmem:$0x1FFF0]  }
0x2bf: {  	v15 =	vadd.f32 v15, v47;
	v47 =	vld [tilespmem:$0x1FF80];
	_ =	sdelay $0x1  }
0x2c0: {  	v57 =	vmul.f32 v28, v58;
	v28 =	vld [tilespmem:$0x1FF90]  }
0x2c1: {  	v25 =	vmul.f32 v25, v61  }
0x2c2: {  	[tilespmem:s31+$0xFFFFFEB0] =	vst v11;
	v11 =	vadd.f32 v41, v45;
	v45 =	vld [tilespmem:$0x1FF50]  }
0x2c3: {  	v27 =	vmul.f32 v27, v63;
	v25 =	vadd.f32 v25, v47;
	v47 =	vld [tilespmem:$0x1FFA0]  }
0x2c4: {  	v7 =	vadd.f32 $9.999999740e-06, v7;
	v41 =	vmul.f32 v37, v62;
	v37 =	vld [tilespmem:$0x1FFC0]  }
0x2c5: {  	v4 =	vmul.f32 v5, v4;
	[tilespmem:s31+$0xFFFFFED0] =	vst v15;
	v15 =	vadd.f32 v27, v28;
	v28 =	vld [tilespmem:$0x1FCD0]  }
0x2c6: {  	v27 =	vmul.f32 v44, v59;
	v44 =	vshra.s32 v7, $0x1;
	[tilespmem:s31+$0xFFFFFF00] =	vst v25;
	v25 =	vld [tilespmem:$0x1FFB0]  }
0x2c7: {  	v4 =	vmul.f32 v4, v5;
	[tilespmem:s31+$0xFFFFFEE0] =	vst v22;
	v22 =	vsub.s32 $0x5F3759DF, v44;
	v44 =	vld [tilespmem:$0x1FFD0]  }
0x2c8: {  	v7 =	vmul.f32 $5.000000000e-01, v7;
	[tilespmem:s31+$0xFFFFFEF0] =	vst v11;
	v11 =	vmul.f32 v46, v45;
	v46 =	vld [tilespmem:$0x1FF60]  }
0x2c9: {  	v45 =	vld [tilespmem:$0x1FFE0]  }
0x2ca: {  	v4 =	vsub.f32 $1.500000000e+00, v4;
	[tilespmem:s31+$0xFFFFFEC0] =	vst v8;
	v8 =	vadd.f32 v57, v47;
	v57 =	vmul.f32 v22, v7;
	v47 =	vld [tilespmem:$0x1FF80]  }
0x2cb: {  	[tilespmem:s31+$0xFFFFFF10] =	vst v15;
	v15 =	vadd.f32 v27, v25;
	v25 =	vadd.f32 v41, v37;
	v41 =	vld [tilespmem:$0x1FF70]  }
0x2cc: {  	v4 =	vmul.f32 v4, v5;
	v5 =	vmul.f32 v22, v57;
	v57 =	vld [tilespmem:$0x1FF90]  }
0x2cd: {  	v27 =	vld [tilespmem:$0x1FCC0]  }
0x2ce: {  	[tilespmem:s31+$0xFFFFFF20] =	vst v8;
	v8 =	vadd.f32 v11, v44;
	v44 =	vld [tilespmem:$0x1FCE0]  }
0x2cf: {  	v9 =	vmul.f32 v9, v61;
	[tilespmem:s31+$0xFFFFFF40] =	vst v25;
	v25 =	vld [tilespmem:$0x1FFC0]  }
0x2d0: {  	v5 =	vsub.f32 $1.500000000e+00, v5;
	v16 =	vmul.f32 v16, v46;
	v46 =	vld [tilespmem:$0x1FFF0]  }
0x2d1: {  	[tilespmem:s31+$0xFFFFFF50] =	vst v8;
	v8 =	vadd.f32 v9, v47;
	v47 =	vld [tilespmem:$0x1FF70]  }
0x2d2: {  	v5 =	vmul.f32 v22, v5;
	v22 =	vld [tilespmem:$0x1FFA0]  }
0x2d3: {  	v11 =	vadd.f32 v16, v45;
	v16 =	vmul.f32 v23, v62;
	v23 =	vld [tilespmem:$0x1FFB0]  }
0x2d4: {  	v12 =	vmul.f32 v12, v63;
	v26 =	vmul.f32 v26, v41;
	v41 =	vld [tilespmem:$0x1FF60]  }
0x2d5: {  	v45 =	vld [tilespmem:$0x1FCF0]  }
0x2d6: {  	v9 =	vadd.f32 v12, v57;
	v57 =	vld [tilespmem:$0x1FFE0]  }
0x2d7: {  	v12 =	vadd.f32 v16, v25;
	v16 =	vsub.f32 v29, v6;
	v29 =	vmul.f32 v54, v58;
	v54 =	vld [tilespmem:$0x1FFD0]  }
0x2d8: {  	v25 =	vmul.f32 v55, v61;
	v55 =	vmul.f32 v51, v63;
	v51 =	vld [tilespmem:$0x1FFE0]  }
0x2d9: {  	[tilespmem:s31+$0xFFFFFF30] =	vst v15;
	v15 =	vadd.f32 v26, v46;
	v26 =	vld [tilespmem:$0x1FF50]  }
0x2da: {  	v0 =	vmul.f32 v0, v58;
	v46 =	vld [tilespmem:$0x1FFD0]  }
0x2db: {  	v3 =	vmul.f32 v3, v47;
	v47 =	vld [tilespmem:$0x1FFC0]  }
0x2dc: {  	v0 =	vadd.f32 v0, v22;
	v22 =	vsub.f32 v44, v6;
	v44 =	vld [tilespmem:$0x1FFB0]  }
0x2dd: {  	[tilespmem:s31+$0xFFFFFF70] =	vst v15;
	v15 =	vsub.f32 v27, v6;
	v27 =	vld [tilespmem:$0x1FFF0]  }
0x2de: {  	v13 =	vmul.f32 v13, v59;
	[tilespmem:s31+$0xFFFFFF90] =	vst v9;
	v9 =	vmul.f32 v24, v41;
	v24 =	vsub.f32 v38, v6;
	v38 =	vld [tilespmem:$0x1FF90]  }
0x2df: {  	[tilespmem:s31+$0xFFFFFF80] =	vst v8;
	v41 =	vld [tilespmem:$0x1FFA0]  }
0x2e0: {  	[tilespmem:s31+$0xFFFFFF60] =	vst v11;
	v11 =	vadd.f32 v13, v23;
	v23 =	vsub.f32 v45, v6;
	v45 =	vld [tilespmem:$0x1FF50]  }
0x2e1: {  	v8 =	vsub.f32 v28, v6;
	v37 =	vmul.f32 v5, v7;
	[tilespmem:s31+$0xFFFFFFA0] =	vst v0;
	v0 =	vsub.f32 v31, v6;
	v31 =	vld [tilespmem:$0x1FF80]  }
0x2e2: {  	v6 =	vsub.f32 v42, v6;
	v42 =	vmul.f32 v40, v62;
	v9 =	vadd.f32 v9, v57;
	v57 =	vld [tilespmem:$0x1FFE0]  }
0x2e3: {  	v40 =	vmul.f32 v4, v24;
	v24 =	vld [tilespmem:$0x1FF60];
	v13 =	vmul.f32 v21, v26  }
0x2e4: {  	v21 =	vmul.f32 v37, v5;
	v37 =	vmul.f32 v48, v59;
	v48 =	vld [tilespmem:$0x1FF70]  }
0x2e5: {  	[tilespmem:s31+$0xFFFFFFB0] =	vst v11;
	v11 =	vadd.f32 v13, v46;
	v46 =	vld [tilespmem:$0x1FF60]  }
0x2e6: {  	v3 =	vadd.f32 v3, v27;
	v27 =	vld [tilespmem:$0x1FFF0]  }
0x2e7: {  	[tilespmem:s31+$0xFFFFFFC0] =	vst v12;
	v12 =	vmul.f32 v39, v45;
	v45 =	vld [tilespmem:$0x1FF50]  }
0x2e8: {  	v28 =	vmul.f32 v14, v63;
	[tilespmem:s31+$0xFFFFFFE0] =	vst v9;
	v26 =	vsub.f32 $1.500000000e+00, v21;
	v21 =	vld [tilespmem:$0x1FF50]  }
0x2e9: {  	v9 =	vadd.f32 v25, v31;
	[tilespmem:s31+$0xFFFFFFD0] =	vst v11;
	v11 =	vadd.f32 v29, v41;
	v29 =	vld [tilespmem:$0x1FF80]  }
0x2ea: {  	[tilespmem:s31+$0xFFFFFFF0] =	vst v3;
	v3 =	vadd.f32 v28, v38;
	v41 =	vld [tilespmem:$0x1FFA0]  }
0x2eb: {  	v8 =	vmul.f32 v4, v8;
	v28 =	vmul.f32 v4, v15;
	v15 =	vld [tilespmem:$0x1FFA0];
	[tilespmem:s31+$0x0] =	vst v9  }
0x2ec: {  	v0 =	vmul.f32 v4, v0;
	v5 =	vmul.f32 v26, v5;
	v9 =	vadd.f32 v37, v44;
	v37 =	vld [tilespmem:$0x1FF90];
	[tilespmem:s31+$0x10] =	vst v3  }
0x2ed: {  	v39 =	vmul.f32 v4, v23;
	v13 =	vmul.f32 v53, v48;
	v44 =	vld [tilespmem:$0x1FFB0];
	v3 =	vadd.f32 v42, v47;
	[tilespmem:s31+$0x20] =	vst v11  }
0x2ee: {  	v48 =	vld [tilespmem:$0x1FF70];
	v11 =	vadd.f32 v12, v54;
	v7 =	vmul.f32 v5, v7;
	v14 =	vmul.f32 v56, v46;
	[tilespmem:s31+$0x30] =	vst v9  }
0x2ef: {  	v31 =	vmul.f32 v4, v16;
	v53 =	vmul.f32 v49, v61;
	v47 =	vld [tilespmem:$0x1FF60];
	[tilespmem:s31+$0x40] =	vst v3;
	v3 =	vadd.f32 v13, v27  }
0x2f0: {  	v56 =	vmul.f32 v52, v58;
	v46 =	vld [tilespmem:$0x1FFC0];
	[tilespmem:s31+$0x50] =	vst v11;
	v7 =	vmul.f32 v7, v5;
	v9 =	vadd.f32 v14, v57  }
0x2f1: {  	v26 =	vmul.f32 v50, v59;
	v38 =	vmul.f32 v4, v22;
	v49 =	vld [tilespmem:$0x1FFD0];
	v11 =	vadd.f32 v53, v29;
	[tilespmem:s31+$0x70] =	vst v3  }
0x2f2: {  	v4 =	vmul.f32 v4, v6;
	v13 =	vld [tilespmem:$0x1FFD0];
	v6 =	vadd.f32 v56, v41;
	v7 =	vsub.f32 $1.500000000e+00, v7;
	[tilespmem:s31+$0x60] =	vst v9  }
0x2f3: {  	v16 =	vmul.f32 v39, v62;
	v42 =	vmul.f32 v20, v62;
	v52 =	vld [tilespmem:$0x1FFF0];
	v9 =	vadd.f32 v55, v37;
	[tilespmem:s31+$0x80] =	vst v11  }
0x2f4: {  	v57 =	vld [tilespmem:$0x1FFC0];
	[tilespmem:s31+$0xA0] =	vst v6;
	v2 =	vmul.f32 v2, v47;
	v5 =	vmul.f32 v7, v5;
	v7 =	vadd.f32 v26, v44  }
0x2f5: {  	v22 =	vsub.f32 v32, v1;
	v0 =	vmul.f32 v0, v21;
	v27 =	vld [tilespmem:$0x1FF70];
	v6 =	vadd.f32 v42, v46;
	[tilespmem:s31+$0x90] =	vst v9  }
0x2f6: {  	v32 =	vsub.f32 v33, v1;
	v33 =	vld [tilespmem:$0x1FFF0];
	v10 =	vmul.f32 v10, v48;
	v2 =	vadd.f32 v2, v51;
	[tilespmem:s31+$0xB0] =	vst v7  }
0x2f7: {  	v54 =	vld [tilespmem:$0x1FF80];
	v53 =	vmul.f32 v31, v58;
	v56 =	vmul.f32 v38, v59;
	v0 =	vadd.f32 v0, v13;
	[tilespmem:s31+$0xC0] =	vst v6  }
0x2f8: {  	v38 =	vsub.f32 v34, v1;
	v55 =	vld [tilespmem:$0x1FF90];
	v9 =	vmul.f32 v19, v45;
	v6 =	vadd.f32 v10, v52;
	[tilespmem:s31+$0xE0] =	vst v2  }
0x2f9: {  	v20 =	vld [tilespmem:$0x1FFB0];
	v3 =	vmul.f32 v40, v24;
	v40 =	vsub.f32 v35, v1;
	v23 =	vadd.f32 v16, v57;
	[tilespmem:s31+$0x150] =	vst v0  }
0x2fa: {  	v29 =	vld [tilespmem:$0x1FFE0];
	v47 =	vsub.f32 v18, v1;
	v4 =	vmul.f32 v4, v27;
	v7 =	vadd.f32 v9, v49;
	[tilespmem:s31+$0xF0] =	vst v6  }
0x2fb: {  	v8 =	vmul.f32 v8, v63;
	v31 =	vld [tilespmem:$0x1FF80];
	v44 =	vsub.f32 v36, v1;
	v2 =	vadd.f32 v53, v15;
	[tilespmem:s31+$0x140] =	vst v23  }
0x2fc: {  	v50 =	vmul.f32 v28, v61;
	v26 =	vld [tilespmem:$0x1FF90];
	v19 =	vsub.f32 v30, v1;
	v4 =	vadd.f32 v4, v33;
	[tilespmem:s31+$0xD0] =	vst v7  }
0x2fd: {  	v28 =	vmul.f32 v5, v22;
	v42 =	vmul.f32 v5, v38;
	v53 =	vld [tilespmem:$0x1FFB0];
	v8 =	vadd.f32 v8, v55;
	[tilespmem:s31+$0x120] =	vst v2  }
0x2fe: {  	v46 =	vmul.f32 v5, v40;
	v25 =	vmul.f32 v5, v19;
	v6 =	vadd.f32 v56, v20;
	v55 =	vld [tilespmem:$0x1FF50];
	[tilespmem:s31+$0x170] =	vst v4  }
0x2ff: {  	v37 =	vmul.f32 v28, v63;
	v48 =	vmul.f32 v42, v59;
	v59 =	vld [tilespmem:$0x1FF70];
	v7 =	vadd.f32 v50, v54;
	[tilespmem:s31+$0x110] =	vst v8  }
0x300: {  	v1 =	vsub.f32 v17, v1;
	v51 =	vmul.f32 v46, v62;
	v2 =	vadd.f32 v3, v29;
	v50 =	vld [tilespmem:$0x1FFA0];
	[tilespmem:s31+$0x130] =	vst v6  }
0x301: {  	v39 =	vmul.f32 v5, v32;
	v56 =	vld [tilespmem:$0x1FF60];
	v30 =	vmul.f32 v25, v61;
	v41 =	vadd.f32 v37, v26;
	[tilespmem:s31+$0x100] =	vst v7  }
0x302: {  	v49 =	vmul.f32 v5, v44;
	v63 =	vld [tilespmem:$0x1FFF0];
	v57 =	vadd.f32 v51, v57;
	[tilespmem:s31+$0x160] =	vst v2  }
0x303: {  	v1 =	vmul.f32 v5, v1;
	v45 =	vmul.f32 v39, v58;
	v62 =	vld [tilespmem:$0x1FFE0];
	v3 =	vadd.f32 v30, v31;
	[tilespmem:s31+$0x190] =	vst v41  }
0x304: {  	s30 =	sadd.s32 $0x8, s30;
	v52 =	vmul.f32 v5, v47;
	v54 =	vadd.f32 v48, v53;
	[tilespmem:s31+$0x1C0] =	vst v57;
	v4 =	vmul.f32 v49, v55  }
0x305: {  	p0 =	slt.u32 s30, $0x78;
	[tilespmem:s31+$0x180] =	vst v3;
	v1 =	vmul.f32 v1, v59;
	v2 =	vadd.f32 v45, v50  }
.Ltmp3:
0x306: {  	v58 =	vmul.f32 v52, v56;
	[tilespmem:s31+$0x1B0] =	vst v54;
	v61 =	vadd.f32 v4, v13;
	(pc) =	sbr.rel @p0 .LBB2_5-.Ltmp3, $4  }
0x307: {  	v0 =	vadd.f32 v1, v63;
	[tilespmem:s31+$0x1A0] =	vst v2  }
0x308: {  	v2 =	vadd.f32 v58, v62;
	[tilespmem:s31+$0x1D0] =	vst v61  }
0x309: {  	[tilespmem:s31+$0x1F0] =	vst v0  }
0x30a: {  	s4 =	sadd.s32 $0x400, s4;
	v60 =	vmov v43;
	[tilespmem:s31+$0x1E0] =	vst v2;
	s31 =	sadd.s32 $0x400, s31  }
.Ltmp4:
0x30b: {  	s0 =	sadd.s32 s9, s29;
	(pc) =	sbr.rel @p1 .LBB2_8-.Ltmp4, $4  }
0x30c: {  	s0 =	sshll.u32 s0, $0xB  }
0x30d: {  	s0 =	sand.u32 $0x1FFFF800, s0  }
0x30e: {  	s0 =	sadd.s32 s6, s0  }
0x30f: {  	[hbm4b:s0+s7] =	stream.linear.scatter [tilespmem:s20], [sflag:$0x4], $0x4000, $0x38;
	[tilespmem:$0x18100] =	vst v63  }
.Ltmp5:
0x310: {  	(pc) =	sbr.rel .LBB2_2-.Ltmp5, $4  }
0x311: {  	s0 =	sshll.u32 s28, $0x8  }
0x312: {  	s28 =	sadd.s32 $0x1, s28;
	s0 =	sand.u32 $0x3FFFFF00, s0  }
0x313: {  	s26 =	sadd.s32 $0x100, s26;
	s25 =	sadd.s32 $0x100, s25;
	s0 =	sadd.s32 $0x180, s0  }
0x314: {  	[tilespmem:s16], [sflag:$0x2] =	stream.indirect.gather [hbm4b:s1+s23], $0x80, s0, s23, $0xb8;
	[tilespmem:$0x18100] =	vst v63  }
.LBB2_9:
0x315: {  	_ =	sfence.sel $0x180000  }
0x316: {  	[bflag:$0x0] =	sbarrier.arrive $0xFFFF  }
0x317: {  	_ =	strace $0x90000047  }
0x318: {  	s0 =	stileid.u32;
	[bflag:$0x2] =	sbarrier.arrive $0xFFFF  }
0x319: {  	p0 =	sne.s32 s0, $0x0;
	s0 =	rddreg [dreg:$0x6]  }
0x31a: {  	s0 =	sadd.s32 @!p0 $0x100000, s0  }
0x31b: {  	[sflag:s0] =	ssyncadd.tile.s32 @!p0 $0x1;
	_ =	shalt  }
.Lfunc_end2:
_tile_overlayer_lowered:
.L_overlay_start_2:
0x31c: {  	(tag) =	ssettag $0x2  }
0x31d: {  	s0 =	rddreg [dreg:$0x0];
	s2 =	stileid.u32  }
0x31e: {  	s1 =	rddreg [dreg:$0x1];
	p0 =	sne.s32 s2, $0x0  }
0x31f: {  	s3 =	rddreg [dreg:$0x2];
	[bflag:$0x3] =	sbarrier.arrive $0xFFFF;
	s2 =	simm.s32 @!p0 $0x1C05  }
0x320: {  	[timem:s3], [sflag:s2] =	dma.local @!p0 [hbm:s0], s1  }
0x321: {  	s0 =	simm.s32 @!p0 $0x5  }
0x322: {  	_ =	swait.ge @!p0 [sflag:s0], s1  }
0x323: {  	s1 =	ssub.s32 @!p0 $0x0, s1;
	[sflag:s0] =	ssyncset.done @!p0 $0x0  }
0x324: {  	[sflag:s0] =	ssyncadd.s32 @!p0 s1  }
0x325: {  	[bflag:$0x3] =	sbarrier.arrive $0xFFFF  }
0x326: {  	_ =	shalt  }

</sc_bundles>
